<compile_context>
chip_gen: v7x
topology: tpu7x:2x2x1
jax: 0.10.2.dev20260603
libtpu: 0.0.44.dev20260713+nightly
codegen_flags: <defaults>
</compile_context>

<pallas_src>
import functools

import jax
import jax.numpy as jnp
import numpy as np
from jax import lax
from jax.experimental import pallas as pl
from jax.experimental.pallas import tpu as pltpu
from jax.experimental.pallas import tpu_sc as plsc

_B, _T, _D = 64, 16, 1280
_S = 128
_T1 = 8
_NC, _NS = 2, 16
_NW = _NC * _NS
_RPW = (_B * _S) // _NW
_BPW = _B // _NW


_FOLDED_KEYS = (
    (1948878966, 4237131848),
    (2441914641, 3819641963),
    (3568232559, 2761185182),
    (869452973, 3597360905),
    (3243370355, 1313272271),
    (2276640802, 2087527766),
    (954670714, 4016809582),
)


def _threefry2x32(k1: int, k2: int, x0: np.ndarray, x1: np.ndarray):
    def rotl(x, r):
        return (x << np.uint32(r)) | (x >> np.uint32(32 - r))
    ks0, ks1 = np.uint32(k1), np.uint32(k2)
    ks2 = ks0 ^ ks1 ^ np.uint32(0x1BD11BDA)
    rot_a, rot_b = (13, 15, 26, 6), (17, 29, 16, 24)
    with np.errstate(over="ignore"):
        x0 = x0 + ks0
        x1 = x1 + ks1
        for rots, (c0, c1, inc) in zip(
            (rot_a, rot_b, rot_a, rot_b, rot_a),
            ((ks1, ks2, 1), (ks2, ks0, 2), (ks0, ks1, 3),
             (ks1, ks2, 4), (ks2, ks0, 5)),
        ):
            for r in rots:
                x0 = x0 + x1
                x1 = rotl(x1, r)
                x1 = x0 ^ x1
            x0 = x0 + c0
            x1 = x1 + c1 + np.uint32(inc)
    return x0, x1


def _build_eg() -> np.ndarray:
    n = _B * _S * _T
    counts = np.arange(n, dtype=np.uint64)
    c_hi = (counts >> np.uint64(32)).astype(np.uint32)
    c_lo = (counts & np.uint64(0xFFFFFFFF)).astype(np.uint32)
    tiny = np.float32(np.finfo(np.float32).tiny)
    one_bits = np.float32(1.0).view(np.uint32)
    egs = []
    for k1, k2 in _FOLDED_KEYS:
        b0, b1 = _threefry2x32(k1, k2, c_hi, c_lo)
        bits = b0 ^ b1
        fb = (bits >> np.uint32(9)) | one_bits
        u = fb.view(np.float32) - np.float32(1.0)
        u = np.maximum(tiny, u * (np.float32(1.0) - tiny) + tiny)
        egs.append((np.float32(-1.0) / np.log(u)).astype(np.float32))
    eg = np.stack(egs).reshape(_T1 - 1, _B * _S, _T)
    eg = eg.reshape(_T1 - 1, _NW, _RPW, _T).transpose(1, 2, 0, 3)
    return np.ascontiguousarray(eg.reshape(_NW * _RPW * (_T1 - 1) * _T))


_EG_NP = _build_eg()

_EPW = _RPW * (_T1 - 1) * _T


def _sc_body(feat_hbm, w_hbm, eg_hbm, out_hbm,
             eg_v, feat_v, w_v, out_v, sem):
    cid = lax.axis_index("c")
    sid = lax.axis_index("s")
    wid = sid * _NC + cid

    feat_cp = pltpu.async_copy(
        feat_hbm.at[pl.ds(wid * _BPW, _BPW)], feat_v, sem)
    pltpu.sync_copy(w_hbm.at[pl.ds(wid * (_BPW * _T), _BPW * _T)], w_v)
    pltpu.sync_copy(eg_hbm.at[pl.ds(wid * _EPW, _EPW)], eg_v)

    zero = jnp.float32(0.0)

    accs = []
    for bb in range(_BPW):
        wv = w_v[pl.ds(bb * _T, _T)]
        total = jnp.sum(wv)
        acc0 = (wv * jnp.float32(_S)) / total

        def s_step(sidx, acc, bb=bb, wv=wv, total=total):
            row = (bb * _S + sidx) * ((_T1 - 1) * _T)
            for ii in range(1, _T1):
                eg = eg_v[pl.ds(row + (ii - 1) * _T, _T)]
                score = wv * eg
                ss, sw = plsc.sort_key_val(score, wv, descending=True)
                cum = plsc.cumsum(sw)
                thresh = ss[ii - 1]
                denom = jnp.maximum(total - cum[ii - 1], jnp.float32(1e-30))
                kept = jnp.where(score < thresh, wv, zero)
                acc = acc + kept / denom
            return acc

        acc = lax.fori_loop(0, _S, s_step, acc0)
        accs.append(acc * jnp.float32(1.0 / (_S * _T1)))

    feat_cp.wait()

    for bb in range(_BPW):
        a = [accs[bb][t] for t in range(_T)]

        def d_step(ci, carry, bb=bb, a=a):
            base = ci * _T
            v = a[0] * feat_v[bb, 0, pl.ds(base, _T)]
            for t in range(1, _T):
                v = v + a[t] * feat_v[bb, t, pl.ds(base, _T)]
            out_v[pl.ds(bb * _D + base, _T)] = v
            return carry

        lax.fori_loop(0, _D // _T, d_step, 0)

    pltpu.sync_copy(out_v, out_hbm.at[pl.ds(wid * (_BPW * _D), _BPW * _D)])


@functools.cache
def _get_sc_kernel():
    mesh = plsc.VectorSubcoreMesh(
        core_axis_name="c", subcore_axis_name="s",
        num_cores=_NC, num_subcores=_NS,
    )
    return pl.kernel(
        _sc_body,
        out_type=jax.ShapeDtypeStruct((_B * _D,), jnp.float32),
        mesh=mesh,
        scratch_types=[
            pltpu.VMEM((_EPW,), jnp.float32),
            pltpu.VMEM((_BPW, _T, _D), jnp.float32),
            pltpu.VMEM((_BPW * _T,), jnp.float32),
            pltpu.VMEM((_BPW * _D,), jnp.float32),
            pltpu.SemaphoreType.DMA,
        ],
        compiler_params=pltpu.CompilerParams(
            needs_layout_passes=False, use_tc_tiling_on_sc=True
        ),
    )


def kernel(global_feat, weights):
    eg = jnp.asarray(_EG_NP)
    out = _get_sc_kernel()(global_feat, weights.reshape(-1), eg)
    return out.reshape(_B, _D)

# --- scband reference (transcript-rebuilt; emitter-appended) ---
"""Pipeline reference for scband-ada-focus-67723044323366 (READ-ONLY COPY).

The authoritative reference and input builder live on the scoring server;
editing this copy changes nothing except your own understanding.
"""

import jax, jax.numpy as jnp
import numpy as np

B, T, D = 64, 16, 1280
S = 128  # sample_times
T1 = 8


def setup_inputs(seed: int = 0) -> dict:
    key = jax.random.key(seed)
    k1, k2 = jax.random.split(key)
    global_feat = jax.random.normal(k1, (B, T, D), dtype=jnp.float32)
    weights = jax.random.uniform(k2, (B, T), dtype=jnp.float32) + 1e-3
    return {"global_feat": global_feat, "weights": weights}


def _mc_sample_feature(global_feat, weights):
    # Faithful JAX port of AdaFocus MCSampleFeature.
    # torch.multinomial(w, i, replacement=False) == Gumbel top-k over log(w).
    Bv, Tv, Dv = global_feat.shape
    all_weights = jnp.repeat(weights[:, None, :], S, axis=1).reshape(-1, Tv)  # [B*S, T]
    rows = jnp.arange(all_weights.shape[0])[:, None]
    sum_feat = jnp.zeros((Bv * S, Dv), dtype=jnp.float32)
    for i in range(T1):
        new_weights = all_weights
        if i > 0:
            gkey = jax.random.fold_in(jax.random.key(1), i)
            g = jax.random.gumbel(gkey, all_weights.shape, dtype=jnp.float32)
            logits = jnp.log(jax.lax.stop_gradient(all_weights)) + g
            _, idx = jax.lax.top_k(logits, i)  # [B*S, i] sampled w/o replacement
            mask = jnp.ones_like(all_weights).at[rows, idx].set(0.0)
            new_weights = all_weights * mask
        fw = new_weights.reshape(Bv, S, Tv)
        # equivalent to (feat.repeat * w).sum(dim=1) without materializing [B*S,T,D]
        frame_feat = jnp.einsum('bst,btd->bsd', fw, global_feat).reshape(Bv * S, Dv)
        denom = jax.lax.stop_gradient(new_weights.sum(axis=1))[:, None]
        sum_feat = sum_feat + frame_feat / denom
    sum_feat = sum_feat / T1
    return sum_feat.reshape(Bv, S, Dv).mean(axis=1)


def reference(global_feat, weights):
    return _mc_sample_feature(global_feat, weights)

if __name__ == "__main__":
    import jax
    _d = setup_inputs()
    print(jax.jit(kernel)(*tuple(_d.values())))

</pallas_src>

<mosaic_0001>
#map = affine_map<(d0, d1) -> (0, 0, 0)>
#map1 = affine_map<(d0, d1) -> (0)>
module attributes {stable_mosaic.version = 14 : i64} {
  func.func @_sc_body(%arg0: i32, %arg1: i32, %arg2: memref<64x16x1280xf32, #tpu.memory_space<hbm>>, %arg3: memref<1024xf32, #tpu.memory_space<hbm>>, %arg4: memref<917504xf32, #tpu.memory_space<hbm>>, %arg5: memref<81920xf32, #tpu.memory_space<hbm>>, %arg6: memref<28672xf32, #tpu.memory_space<vmem>>, %arg7: memref<2x16x1280xf32, #tpu.memory_space<vmem>>, %arg8: memref<32xf32, #tpu.memory_space<vmem>>, %arg9: memref<2560xf32, #tpu.memory_space<vmem>>, %arg10: memref<!tpu.dma_semaphore, #tpu.memory_space<semaphore_mem>>) attributes {dimension_semantics = [#tpu.dimension_semantics<core_parallel>, #tpu.dimension_semantics<subcore_parallel>], iteration_bounds = array<i64: 2, 16>, scalar_prefetch = 0 : i64, scratch_operands = 5 : i64, tpu.core_type = #tpu.core_type<sc_vector_subcore>, window_params = [{transform_indices = #map}, {transform_indices = #map1}, {transform_indices = #map1}, {transform_indices = #map1}]} {
    %mul3A = arith.constant 2 : i32
    %mul3A_0 = arith.muli %arg1, %mul3A : i32
    %add3A = arith.addi %mul3A_0, %arg0 : i32
    %mul3A_1 = arith.constant 2 : i32
    %mul3A_2 = arith.muli %add3A, %mul3A_1 : i32
    %dma_start3A = arith.constant 0 : i32
    %dma_start3A_3 = arith.constant 0 : i32
    %dma_start3A_4 = tpu.memref_slice %arg2[%mul3A_2, %dma_start3A, %dma_start3A_3] : memref<64x16x1280xf32, #tpu.memory_space<hbm>> -> memref<2x16x1280xf32, #tpu.memory_space<hbm>>
    %dma_start3A_5 = arith.constant 0 : i32
    %dma_start3A_6 = arith.constant 0 : i32
    %dma_start3A_7 = tpu.memref_slice %arg2[%mul3A_2, %dma_start3A_5, %dma_start3A_6] : memref<64x16x1280xf32, #tpu.memory_space<hbm>> -> memref<2x16x1280xf32, #tpu.memory_space<hbm>>
    tpu.enqueue_dma source(%dma_start3A_7 : memref<2x16x1280xf32, #tpu.memory_space<hbm>>) target(%arg7 : memref<2x16x1280xf32, #tpu.memory_space<vmem>>) target_semaphore(%arg10 : memref<!tpu.dma_semaphore, #tpu.memory_space<semaphore_mem>>)
    %mul3A_8 = arith.constant 32 : i32
    %mul3A_9 = arith.muli %add3A, %mul3A_8 : i32
    "tpu.region"() ({
      %run_scoped3A = tpu.sem_alloc : memref<!tpu.dma_semaphore, #tpu.memory_space<semaphore_mem>>
      %dma_start3A_131 = tpu.memref_slice %arg3[%mul3A_9] : memref<1024xf32, #tpu.memory_space<hbm>> -> memref<32xf32, #tpu.memory_space<hbm>>
      %dma_start3A_132 = tpu.memref_slice %arg3[%mul3A_9] : memref<1024xf32, #tpu.memory_space<hbm>> -> memref<32xf32, #tpu.memory_space<hbm>>
      tpu.enqueue_dma source(%dma_start3A_132 : memref<32xf32, #tpu.memory_space<hbm>>) target(%arg8 : memref<32xf32, #tpu.memory_space<vmem>>) target_semaphore(%run_scoped3A : memref<!tpu.dma_semaphore, #tpu.memory_space<semaphore_mem>>)
      %dma_wait3A_133 = tpu.memref_slice %arg3[%mul3A_9] : memref<1024xf32, #tpu.memory_space<hbm>> -> memref<32xf32, #tpu.memory_space<hbm>>
      %dma_wait3A_134 = tpu.memref_slice %arg3[%mul3A_9] : memref<1024xf32, #tpu.memory_space<hbm>> -> memref<32xf32, #tpu.memory_space<hbm>>
      tpu.wait_dma2 semaphore(%run_scoped3A : memref<!tpu.dma_semaphore, #tpu.memory_space<semaphore_mem>>) src(%dma_wait3A_134 : memref<32xf32, #tpu.memory_space<hbm>>) dst(%arg8 : memref<32xf32, #tpu.memory_space<vmem>>)
      tpu.yield
    }) : () -> ()
    %mul3A_10 = arith.constant 28672 : i32
    %mul3A_11 = arith.muli %add3A, %mul3A_10 : i32
    "tpu.region"() ({
      %run_scoped3A = tpu.sem_alloc : memref<!tpu.dma_semaphore, #tpu.memory_space<semaphore_mem>>
      %dma_start3A_131 = tpu.memref_slice %arg4[%mul3A_11] : memref<917504xf32, #tpu.memory_space<hbm>> -> memref<28672xf32, #tpu.memory_space<hbm>>
      %dma_start3A_132 = tpu.memref_slice %arg4[%mul3A_11] : memref<917504xf32, #tpu.memory_space<hbm>> -> memref<28672xf32, #tpu.memory_space<hbm>>
      tpu.enqueue_dma source(%dma_start3A_132 : memref<28672xf32, #tpu.memory_space<hbm>>) target(%arg6 : memref<28672xf32, #tpu.memory_space<vmem>>) target_semaphore(%run_scoped3A : memref<!tpu.dma_semaphore, #tpu.memory_space<semaphore_mem>>)
      %dma_wait3A_133 = tpu.memref_slice %arg4[%mul3A_11] : memref<917504xf32, #tpu.memory_space<hbm>> -> memref<28672xf32, #tpu.memory_space<hbm>>
      %dma_wait3A_134 = tpu.memref_slice %arg4[%mul3A_11] : memref<917504xf32, #tpu.memory_space<hbm>> -> memref<28672xf32, #tpu.memory_space<hbm>>
      tpu.wait_dma2 semaphore(%run_scoped3A : memref<!tpu.dma_semaphore, #tpu.memory_space<semaphore_mem>>) src(%dma_wait3A_134 : memref<28672xf32, #tpu.memory_space<hbm>>) dst(%arg6 : memref<28672xf32, #tpu.memory_space<vmem>>)
      tpu.yield
    }) : () -> ()
    %get3A = arith.constant 0 : index
    %get3A_12 = tpu.vector_load %arg8[%get3A] {strides = array<i32>} : memref<32xf32, #tpu.memory_space<vmem>>, vector<16xf32>,
    %reduce_sum3A = arith.constant true
    %reduce_sum3A_13 = vector.broadcast %reduce_sum3A : i1 to vector<16xi1>
    %reduce_sum3A_14 = tpu.scan <sum>, %get3A_12 masked %reduce_sum3A_13 : vector<16xf32>, vector<16xi1> -> vector<16xf32>
    %reduce_sum3A_15 = vector.extract %reduce_sum3A_14[15] : f32 from vector<16xf32>
    %mul3A_16 = arith.constant 1.280000e+02 : f32
    %mul3A_17 = vector.broadcast %mul3A_16 : f32 to vector<16xf32>
    %mul3A_18 = arith.mulf %get3A_12, %mul3A_17 : vector<16xf32>
    %div3A = vector.broadcast %reduce_sum3A_15 : f32 to vector<16xf32>
    %div3A_19 = arith.divf %mul3A_18, %div3A : vector<16xf32>
    %scan3A = arith.constant 0.000000e+00 : f32
    %scan3A_20 = arith.constant 0 : i32
    %scan3A_21 = arith.constant 128 : i32
    %scan3A_22 = arith.addi %scan3A_20, %scan3A_21 : i32
    %scan3A_23 = arith.constant 1 : i32
    %scan3A_24 = scf.for %scan3A_131 = %scan3A_20 to %scan3A_22 step %scan3A_23 iter_args(%scan3A_132 = %div3A_19) -> (vector<16xf32>)  : i32 {
      %add3A_133 = arith.constant 0 : i32
      %add3A_134 = arith.addi %add3A_133, %scan3A_131 : i32
      %mul3A_135 = arith.constant 112 : i32
      %mul3A_136 = arith.muli %add3A_134, %mul3A_135 : i32
      %add3A_137 = arith.constant 0 : i32
      %add3A_138 = arith.addi %mul3A_136, %add3A_137 : i32
      %get3A_139 = arith.index_cast %add3A_138 : i32 to index
      %get3A_140 = tpu.vector_load %arg6[%get3A_139] {strides = array<i32>} : memref<28672xf32, #tpu.memory_space<vmem>>, vector<16xf32>,
      %mul3A_141 = arith.mulf %get3A_12, %get3A_140 : vector<16xf32>
      %masked_sort3A = arith.constant dense<true> : vector<16xi1>
      %masked_sort3A_142, %masked_sort3A_143, %masked_sort3A_144 = tpu.sort %mul3A_141, %get3A_12 masked %masked_sort3A {descending = true} : (vector<16xf32>, vector<16xf32>, vector<16xi1>) -> (vector<16xi1>, vector<16xf32>, vector<16xf32>)
      %broadcast_in_dim3A = arith.constant true
      %broadcast_in_dim3A_145 = vector.broadcast %broadcast_in_dim3A : i1 to vector<16xi1>
      %masked_cumsum3A = tpu.scan <sum>, %masked_sort3A_144 masked %broadcast_in_dim3A_145 : vector<16xf32>, vector<16xi1> -> vector<16xf32>
      %slice3A_146 = vector.extract_strided_slice %masked_sort3A_143 {offsets = [0], sizes = [1], strides = [1]} : vector<16xf32> to vector<1xf32>
      %squeeze3A_147 = vector.extract %slice3A_146[0] : f32 from vector<1xf32>
      %slice3A_148 = vector.extract_strided_slice %masked_cumsum3A {offsets = [0], sizes = [1], strides = [1]} : vector<16xf32> to vector<1xf32>
      %squeeze3A_149 = vector.extract %slice3A_148[0] : f32 from vector<1xf32>
      %sub3A = arith.subf %reduce_sum3A_15, %squeeze3A_149 : f32
      %max3A = arith.constant 1.000000e-30 : f32
      %max3A_150 = arith.maximumf %sub3A, %max3A : f32
      %lt3A = vector.broadcast %squeeze3A_147 : f32 to vector<16xf32>
      %lt3A_151 = arith.cmpf olt, %mul3A_141, %lt3A : vector<16xf32>
      %broadcast_in_dim3A_152 = vector.broadcast %scan3A : f32 to vector<16xf32>
      %select_n3A = arith.select %lt3A_151, %get3A_12, %broadcast_in_dim3A_152 : vector<16xi1>, vector<16xf32>
      %div3A_153 = vector.broadcast %max3A_150 : f32 to vector<16xf32>
      %div3A_154 = arith.divf %select_n3A, %div3A_153 : vector<16xf32>
      %add3A_155 = arith.addf %scan3A_132, %div3A_154 : vector<16xf32>
      %add3A_156 = arith.constant 16 : i32
      %add3A_157 = arith.addi %mul3A_136, %add3A_156 : i32
      %get3A_158 = arith.index_cast %add3A_157 : i32 to index
      %get3A_159 = tpu.vector_load %arg6[%get3A_158] {strides = array<i32>} : memref<28672xf32, #tpu.memory_space<vmem>>, vector<16xf32>,
      %mul3A_160 = arith.mulf %get3A_12, %get3A_159 : vector<16xf32>
      %masked_sort3A_161 = arith.constant dense<true> : vector<16xi1>
      %masked_sort3A_162, %masked_sort3A_163, %masked_sort3A_164 = tpu.sort %mul3A_160, %get3A_12 masked %masked_sort3A_161 {descending = true} : (vector<16xf32>, vector<16xf32>, vector<16xi1>) -> (vector<16xi1>, vector<16xf32>, vector<16xf32>)
      %broadcast_in_dim3A_165 = arith.constant true
      %broadcast_in_dim3A_166 = vector.broadcast %broadcast_in_dim3A_165 : i1 to vector<16xi1>
      %masked_cumsum3A_167 = tpu.scan <sum>, %masked_sort3A_164 masked %broadcast_in_dim3A_166 : vector<16xf32>, vector<16xi1> -> vector<16xf32>
      %slice3A_168 = vector.extract_strided_slice %masked_sort3A_163 {offsets = [1], sizes = [1], strides = [1]} : vector<16xf32> to vector<1xf32>
      %squeeze3A_169 = vector.extract %slice3A_168[0] : f32 from vector<1xf32>
      %slice3A_170 = vector.extract_strided_slice %masked_cumsum3A_167 {offsets = [1], sizes = [1], strides = [1]} : vector<16xf32> to vector<1xf32>
      %squeeze3A_171 = vector.extract %slice3A_170[0] : f32 from vector<1xf32>
      %sub3A_172 = arith.subf %reduce_sum3A_15, %squeeze3A_171 : f32
      %max3A_173 = arith.constant 1.000000e-30 : f32
      %max3A_174 = arith.maximumf %sub3A_172, %max3A_173 : f32
      %lt3A_175 = vector.broadcast %squeeze3A_169 : f32 to vector<16xf32>
      %lt3A_176 = arith.cmpf olt, %mul3A_160, %lt3A_175 : vector<16xf32>
      %broadcast_in_dim3A_177 = vector.broadcast %scan3A : f32 to vector<16xf32>
      %select_n3A_178 = arith.select %lt3A_176, %get3A_12, %broadcast_in_dim3A_177 : vector<16xi1>, vector<16xf32>
      %div3A_179 = vector.broadcast %max3A_174 : f32 to vector<16xf32>
      %div3A_180 = arith.divf %select_n3A_178, %div3A_179 : vector<16xf32>
      %add3A_181 = arith.addf %add3A_155, %div3A_180 : vector<16xf32>
      %add3A_182 = arith.constant 32 : i32
      %add3A_183 = arith.addi %mul3A_136, %add3A_182 : i32
      %get3A_184 = arith.index_cast %add3A_183 : i32 to index
      %get3A_185 = tpu.vector_load %arg6[%get3A_184] {strides = array<i32>} : memref<28672xf32, #tpu.memory_space<vmem>>, vector<16xf32>,
      %mul3A_186 = arith.mulf %get3A_12, %get3A_185 : vector<16xf32>
      %masked_sort3A_187 = arith.constant dense<true> : vector<16xi1>
      %masked_sort3A_188, %masked_sort3A_189, %masked_sort3A_190 = tpu.sort %mul3A_186, %get3A_12 masked %masked_sort3A_187 {descending = true} : (vector<16xf32>, vector<16xf32>, vector<16xi1>) -> (vector<16xi1>, vector<16xf32>, vector<16xf32>)
      %broadcast_in_dim3A_191 = arith.constant true
      %broadcast_in_dim3A_192 = vector.broadcast %broadcast_in_dim3A_191 : i1 to vector<16xi1>
      %masked_cumsum3A_193 = tpu.scan <sum>, %masked_sort3A_190 masked %broadcast_in_dim3A_192 : vector<16xf32>, vector<16xi1> -> vector<16xf32>
      %slice3A_194 = vector.extract_strided_slice %masked_sort3A_189 {offsets = [2], sizes = [1], strides = [1]} : vector<16xf32> to vector<1xf32>
      %squeeze3A_195 = vector.extract %slice3A_194[0] : f32 from vector<1xf32>
      %slice3A_196 = vector.extract_strided_slice %masked_cumsum3A_193 {offsets = [2], sizes = [1], strides = [1]} : vector<16xf32> to vector<1xf32>
      %squeeze3A_197 = vector.extract %slice3A_196[0] : f32 from vector<1xf32>
      %sub3A_198 = arith.subf %reduce_sum3A_15, %squeeze3A_197 : f32
      %max3A_199 = arith.constant 1.000000e-30 : f32
      %max3A_200 = arith.maximumf %sub3A_198, %max3A_199 : f32
      %lt3A_201 = vector.broadcast %squeeze3A_195 : f32 to vector<16xf32>
      %lt3A_202 = arith.cmpf olt, %mul3A_186, %lt3A_201 : vector<16xf32>
      %broadcast_in_dim3A_203 = vector.broadcast %scan3A : f32 to vector<16xf32>
      %select_n3A_204 = arith.select %lt3A_202, %get3A_12, %broadcast_in_dim3A_203 : vector<16xi1>, vector<16xf32>
      %div3A_205 = vector.broadcast %max3A_200 : f32 to vector<16xf32>
      %div3A_206 = arith.divf %select_n3A_204, %div3A_205 : vector<16xf32>
      %add3A_207 = arith.addf %add3A_181, %div3A_206 : vector<16xf32>
      %add3A_208 = arith.constant 48 : i32
      %add3A_209 = arith.addi %mul3A_136, %add3A_208 : i32
      %get3A_210 = arith.index_cast %add3A_209 : i32 to index
      %get3A_211 = tpu.vector_load %arg6[%get3A_210] {strides = array<i32>} : memref<28672xf32, #tpu.memory_space<vmem>>, vector<16xf32>,
      %mul3A_212 = arith.mulf %get3A_12, %get3A_211 : vector<16xf32>
      %masked_sort3A_213 = arith.constant dense<true> : vector<16xi1>
      %masked_sort3A_214, %masked_sort3A_215, %masked_sort3A_216 = tpu.sort %mul3A_212, %get3A_12 masked %masked_sort3A_213 {descending = true} : (vector<16xf32>, vector<16xf32>, vector<16xi1>) -> (vector<16xi1>, vector<16xf32>, vector<16xf32>)
      %broadcast_in_dim3A_217 = arith.constant true
      %broadcast_in_dim3A_218 = vector.broadcast %broadcast_in_dim3A_217 : i1 to vector<16xi1>
      %masked_cumsum3A_219 = tpu.scan <sum>, %masked_sort3A_216 masked %broadcast_in_dim3A_218 : vector<16xf32>, vector<16xi1> -> vector<16xf32>
      %slice3A_220 = vector.extract_strided_slice %masked_sort3A_215 {offsets = [3], sizes = [1], strides = [1]} : vector<16xf32> to vector<1xf32>
      %squeeze3A_221 = vector.extract %slice3A_220[0] : f32 from vector<1xf32>
      %slice3A_222 = vector.extract_strided_slice %masked_cumsum3A_219 {offsets = [3], sizes = [1], strides = [1]} : vector<16xf32> to vector<1xf32>
      %squeeze3A_223 = vector.extract %slice3A_222[0] : f32 from vector<1xf32>
      %sub3A_224 = arith.subf %reduce_sum3A_15, %squeeze3A_223 : f32
      %max3A_225 = arith.constant 1.000000e-30 : f32
      %max3A_226 = arith.maximumf %sub3A_224, %max3A_225 : f32
      %lt3A_227 = vector.broadcast %squeeze3A_221 : f32 to vector<16xf32>
      %lt3A_228 = arith.cmpf olt, %mul3A_212, %lt3A_227 : vector<16xf32>
      %broadcast_in_dim3A_229 = vector.broadcast %scan3A : f32 to vector<16xf32>
      %select_n3A_230 = arith.select %lt3A_228, %get3A_12, %broadcast_in_dim3A_229 : vector<16xi1>, vector<16xf32>
      %div3A_231 = vector.broadcast %max3A_226 : f32 to vector<16xf32>
      %div3A_232 = arith.divf %select_n3A_230, %div3A_231 : vector<16xf32>
      %add3A_233 = arith.addf %add3A_207, %div3A_232 : vector<16xf32>
      %add3A_234 = arith.constant 64 : i32
      %add3A_235 = arith.addi %mul3A_136, %add3A_234 : i32
      %get3A_236 = arith.index_cast %add3A_235 : i32 to index
      %get3A_237 = tpu.vector_load %arg6[%get3A_236] {strides = array<i32>} : memref<28672xf32, #tpu.memory_space<vmem>>, vector<16xf32>,
      %mul3A_238 = arith.mulf %get3A_12, %get3A_237 : vector<16xf32>
      %masked_sort3A_239 = arith.constant dense<true> : vector<16xi1>
      %masked_sort3A_240, %masked_sort3A_241, %masked_sort3A_242 = tpu.sort %mul3A_238, %get3A_12 masked %masked_sort3A_239 {descending = true} : (vector<16xf32>, vector<16xf32>, vector<16xi1>) -> (vector<16xi1>, vector<16xf32>, vector<16xf32>)
      %broadcast_in_dim3A_243 = arith.constant true
      %broadcast_in_dim3A_244 = vector.broadcast %broadcast_in_dim3A_243 : i1 to vector<16xi1>
      %masked_cumsum3A_245 = tpu.scan <sum>, %masked_sort3A_242 masked %broadcast_in_dim3A_244 : vector<16xf32>, vector<16xi1> -> vector<16xf32>
      %slice3A_246 = vector.extract_strided_slice %masked_sort3A_241 {offsets = [4], sizes = [1], strides = [1]} : vector<16xf32> to vector<1xf32>
      %squeeze3A_247 = vector.extract %slice3A_246[0] : f32 from vector<1xf32>
      %slice3A_248 = vector.extract_strided_slice %masked_cumsum3A_245 {offsets = [4], sizes = [1], strides = [1]} : vector<16xf32> to vector<1xf32>
      %squeeze3A_249 = vector.extract %slice3A_248[0] : f32 from vector<1xf32>
      %sub3A_250 = arith.subf %reduce_sum3A_15, %squeeze3A_249 : f32
      %max3A_251 = arith.constant 1.000000e-30 : f32
      %max3A_252 = arith.maximumf %sub3A_250, %max3A_251 : f32
      %lt3A_253 = vector.broadcast %squeeze3A_247 : f32 to vector<16xf32>
      %lt3A_254 = arith.cmpf olt, %mul3A_238, %lt3A_253 : vector<16xf32>
      %broadcast_in_dim3A_255 = vector.broadcast %scan3A : f32 to vector<16xf32>
      %select_n3A_256 = arith.select %lt3A_254, %get3A_12, %broadcast_in_dim3A_255 : vector<16xi1>, vector<16xf32>
      %div3A_257 = vector.broadcast %max3A_252 : f32 to vector<16xf32>
      %div3A_258 = arith.divf %select_n3A_256, %div3A_257 : vector<16xf32>
      %add3A_259 = arith.addf %add3A_233, %div3A_258 : vector<16xf32>
      %add3A_260 = arith.constant 80 : i32
      %add3A_261 = arith.addi %mul3A_136, %add3A_260 : i32
      %get3A_262 = arith.index_cast %add3A_261 : i32 to index
      %get3A_263 = tpu.vector_load %arg6[%get3A_262] {strides = array<i32>} : memref<28672xf32, #tpu.memory_space<vmem>>, vector<16xf32>,
      %mul3A_264 = arith.mulf %get3A_12, %get3A_263 : vector<16xf32>
      %masked_sort3A_265 = arith.constant dense<true> : vector<16xi1>
      %masked_sort3A_266, %masked_sort3A_267, %masked_sort3A_268 = tpu.sort %mul3A_264, %get3A_12 masked %masked_sort3A_265 {descending = true} : (vector<16xf32>, vector<16xf32>, vector<16xi1>) -> (vector<16xi1>, vector<16xf32>, vector<16xf32>)
      %broadcast_in_dim3A_269 = arith.constant true
      %broadcast_in_dim3A_270 = vector.broadcast %broadcast_in_dim3A_269 : i1 to vector<16xi1>
      %masked_cumsum3A_271 = tpu.scan <sum>, %masked_sort3A_268 masked %broadcast_in_dim3A_270 : vector<16xf32>, vector<16xi1> -> vector<16xf32>
      %slice3A_272 = vector.extract_strided_slice %masked_sort3A_267 {offsets = [5], sizes = [1], strides = [1]} : vector<16xf32> to vector<1xf32>
      %squeeze3A_273 = vector.extract %slice3A_272[0] : f32 from vector<1xf32>
      %slice3A_274 = vector.extract_strided_slice %masked_cumsum3A_271 {offsets = [5], sizes = [1], strides = [1]} : vector<16xf32> to vector<1xf32>
      %squeeze3A_275 = vector.extract %slice3A_274[0] : f32 from vector<1xf32>
      %sub3A_276 = arith.subf %reduce_sum3A_15, %squeeze3A_275 : f32
      %max3A_277 = arith.constant 1.000000e-30 : f32
      %max3A_278 = arith.maximumf %sub3A_276, %max3A_277 : f32
      %lt3A_279 = vector.broadcast %squeeze3A_273 : f32 to vector<16xf32>
      %lt3A_280 = arith.cmpf olt, %mul3A_264, %lt3A_279 : vector<16xf32>
      %broadcast_in_dim3A_281 = vector.broadcast %scan3A : f32 to vector<16xf32>
      %select_n3A_282 = arith.select %lt3A_280, %get3A_12, %broadcast_in_dim3A_281 : vector<16xi1>, vector<16xf32>
      %div3A_283 = vector.broadcast %max3A_278 : f32 to vector<16xf32>
      %div3A_284 = arith.divf %select_n3A_282, %div3A_283 : vector<16xf32>
      %add3A_285 = arith.addf %add3A_259, %div3A_284 : vector<16xf32>
      %add3A_286 = arith.constant 96 : i32
      %add3A_287 = arith.addi %mul3A_136, %add3A_286 : i32
      %get3A_288 = arith.index_cast %add3A_287 : i32 to index
      %get3A_289 = tpu.vector_load %arg6[%get3A_288] {strides = array<i32>} : memref<28672xf32, #tpu.memory_space<vmem>>, vector<16xf32>,
      %mul3A_290 = arith.mulf %get3A_12, %get3A_289 : vector<16xf32>
      %masked_sort3A_291 = arith.constant dense<true> : vector<16xi1>
      %masked_sort3A_292, %masked_sort3A_293, %masked_sort3A_294 = tpu.sort %mul3A_290, %get3A_12 masked %masked_sort3A_291 {descending = true} : (vector<16xf32>, vector<16xf32>, vector<16xi1>) -> (vector<16xi1>, vector<16xf32>, vector<16xf32>)
      %broadcast_in_dim3A_295 = arith.constant true
      %broadcast_in_dim3A_296 = vector.broadcast %broadcast_in_dim3A_295 : i1 to vector<16xi1>
      %masked_cumsum3A_297 = tpu.scan <sum>, %masked_sort3A_294 masked %broadcast_in_dim3A_296 : vector<16xf32>, vector<16xi1> -> vector<16xf32>
      %slice3A_298 = vector.extract_strided_slice %masked_sort3A_293 {offsets = [6], sizes = [1], strides = [1]} : vector<16xf32> to vector<1xf32>
      %squeeze3A_299 = vector.extract %slice3A_298[0] : f32 from vector<1xf32>
      %slice3A_300 = vector.extract_strided_slice %masked_cumsum3A_297 {offsets = [6], sizes = [1], strides = [1]} : vector<16xf32> to vector<1xf32>
      %squeeze3A_301 = vector.extract %slice3A_300[0] : f32 from vector<1xf32>
      %sub3A_302 = arith.subf %reduce_sum3A_15, %squeeze3A_301 : f32
      %max3A_303 = arith.constant 1.000000e-30 : f32
      %max3A_304 = arith.maximumf %sub3A_302, %max3A_303 : f32
      %lt3A_305 = vector.broadcast %squeeze3A_299 : f32 to vector<16xf32>
      %lt3A_306 = arith.cmpf olt, %mul3A_290, %lt3A_305 : vector<16xf32>
      %broadcast_in_dim3A_307 = vector.broadcast %scan3A : f32 to vector<16xf32>
      %select_n3A_308 = arith.select %lt3A_306, %get3A_12, %broadcast_in_dim3A_307 : vector<16xi1>, vector<16xf32>
      %div3A_309 = vector.broadcast %max3A_304 : f32 to vector<16xf32>
      %div3A_310 = arith.divf %select_n3A_308, %div3A_309 : vector<16xf32>
      %add3A_311 = arith.addf %add3A_285, %div3A_310 : vector<16xf32>
      scf.yield %add3A_311 : vector<16xf32>
    }
    %scan3A_25 = arith.constant 128 : i32
    %mul3A_26 = arith.constant 9.765625E-4 : f32
    %mul3A_27 = vector.broadcast %mul3A_26 : f32 to vector<16xf32>
    %mul3A_28 = arith.mulf %scan3A_24, %mul3A_27 : vector<16xf32>
    %get3A_29 = arith.constant 16 : index
    %get3A_30 = tpu.vector_load %arg8[%get3A_29] {strides = array<i32>} : memref<32xf32, #tpu.memory_space<vmem>>, vector<16xf32>,
    %reduce_sum3A_31 = arith.constant true
    %reduce_sum3A_32 = vector.broadcast %reduce_sum3A_31 : i1 to vector<16xi1>
    %reduce_sum3A_33 = tpu.scan <sum>, %get3A_30 masked %reduce_sum3A_32 : vector<16xf32>, vector<16xi1> -> vector<16xf32>
    %reduce_sum3A_34 = vector.extract %reduce_sum3A_33[15] : f32 from vector<16xf32>
    %mul3A_35 = arith.constant 1.280000e+02 : f32
    %mul3A_36 = vector.broadcast %mul3A_35 : f32 to vector<16xf32>
    %mul3A_37 = arith.mulf %get3A_30, %mul3A_36 : vector<16xf32>
    %div3A_38 = vector.broadcast %reduce_sum3A_34 : f32 to vector<16xf32>
    %div3A_39 = arith.divf %mul3A_37, %div3A_38 : vector<16xf32>
    %scan3A_40 = arith.constant 0.000000e+00 : f32
    %scan3A_41 = arith.constant 0 : i32
    %scan3A_42 = arith.constant 128 : i32
    %scan3A_43 = arith.addi %scan3A_41, %scan3A_42 : i32
    %scan3A_44 = arith.constant 1 : i32
    %scan3A_45 = scf.for %scan3A_131 = %scan3A_41 to %scan3A_43 step %scan3A_44 iter_args(%scan3A_132 = %div3A_39) -> (vector<16xf32>)  : i32 {
      %add3A_133 = arith.constant 128 : i32
      %add3A_134 = arith.addi %add3A_133, %scan3A_131 : i32
      %mul3A_135 = arith.constant 112 : i32
      %mul3A_136 = arith.muli %add3A_134, %mul3A_135 : i32
      %add3A_137 = arith.constant 0 : i32
      %add3A_138 = arith.addi %mul3A_136, %add3A_137 : i32
      %get3A_139 = arith.index_cast %add3A_138 : i32 to index
      %get3A_140 = tpu.vector_load %arg6[%get3A_139] {strides = array<i32>} : memref<28672xf32, #tpu.memory_space<vmem>>, vector<16xf32>,
      %mul3A_141 = arith.mulf %get3A_30, %get3A_140 : vector<16xf32>
      %masked_sort3A = arith.constant dense<true> : vector<16xi1>
      %masked_sort3A_142, %masked_sort3A_143, %masked_sort3A_144 = tpu.sort %mul3A_141, %get3A_30 masked %masked_sort3A {descending = true} : (vector<16xf32>, vector<16xf32>, vector<16xi1>) -> (vector<16xi1>, vector<16xf32>, vector<16xf32>)
      %broadcast_in_dim3A = arith.constant true
      %broadcast_in_dim3A_145 = vector.broadcast %broadcast_in_dim3A : i1 to vector<16xi1>
      %masked_cumsum3A = tpu.scan <sum>, %masked_sort3A_144 masked %broadcast_in_dim3A_145 : vector<16xf32>, vector<16xi1> -> vector<16xf32>
      %slice3A_146 = vector.extract_strided_slice %masked_sort3A_143 {offsets = [0], sizes = [1], strides = [1]} : vector<16xf32> to vector<1xf32>
      %squeeze3A_147 = vector.extract %slice3A_146[0] : f32 from vector<1xf32>
      %slice3A_148 = vector.extract_strided_slice %masked_cumsum3A {offsets = [0], sizes = [1], strides = [1]} : vector<16xf32> to vector<1xf32>
      %squeeze3A_149 = vector.extract %slice3A_148[0] : f32 from vector<1xf32>
      %sub3A = arith.subf %reduce_sum3A_34, %squeeze3A_149 : f32
      %max3A = arith.constant 1.000000e-30 : f32
      %max3A_150 = arith.maximumf %sub3A, %max3A : f32
      %lt3A = vector.broadcast %squeeze3A_147 : f32 to vector<16xf32>
      %lt3A_151 = arith.cmpf olt, %mul3A_141, %lt3A : vector<16xf32>
      %broadcast_in_dim3A_152 = vector.broadcast %scan3A_40 : f32 to vector<16xf32>
      %select_n3A = arith.select %lt3A_151, %get3A_30, %broadcast_in_dim3A_152 : vector<16xi1>, vector<16xf32>
      %div3A_153 = vector.broadcast %max3A_150 : f32 to vector<16xf32>
      %div3A_154 = arith.divf %select_n3A, %div3A_153 : vector<16xf32>
      %add3A_155 = arith.addf %scan3A_132, %div3A_154 : vector<16xf32>
      %add3A_156 = arith.constant 16 : i32
      %add3A_157 = arith.addi %mul3A_136, %add3A_156 : i32
      %get3A_158 = arith.index_cast %add3A_157 : i32 to index
      %get3A_159 = tpu.vector_load %arg6[%get3A_158] {strides = array<i32>} : memref<28672xf32, #tpu.memory_space<vmem>>, vector<16xf32>,
      %mul3A_160 = arith.mulf %get3A_30, %get3A_159 : vector<16xf32>
      %masked_sort3A_161 = arith.constant dense<true> : vector<16xi1>
      %masked_sort3A_162, %masked_sort3A_163, %masked_sort3A_164 = tpu.sort %mul3A_160, %get3A_30 masked %masked_sort3A_161 {descending = true} : (vector<16xf32>, vector<16xf32>, vector<16xi1>) -> (vector<16xi1>, vector<16xf32>, vector<16xf32>)
      %broadcast_in_dim3A_165 = arith.constant true
      %broadcast_in_dim3A_166 = vector.broadcast %broadcast_in_dim3A_165 : i1 to vector<16xi1>
      %masked_cumsum3A_167 = tpu.scan <sum>, %masked_sort3A_164 masked %broadcast_in_dim3A_166 : vector<16xf32>, vector<16xi1> -> vector<16xf32>
      %slice3A_168 = vector.extract_strided_slice %masked_sort3A_163 {offsets = [1], sizes = [1], strides = [1]} : vector<16xf32> to vector<1xf32>
      %squeeze3A_169 = vector.extract %slice3A_168[0] : f32 from vector<1xf32>
      %slice3A_170 = vector.extract_strided_slice %masked_cumsum3A_167 {offsets = [1], sizes = [1], strides = [1]} : vector<16xf32> to vector<1xf32>
      %squeeze3A_171 = vector.extract %slice3A_170[0] : f32 from vector<1xf32>
      %sub3A_172 = arith.subf %reduce_sum3A_34, %squeeze3A_171 : f32
      %max3A_173 = arith.constant 1.000000e-30 : f32
      %max3A_174 = arith.maximumf %sub3A_172, %max3A_173 : f32
      %lt3A_175 = vector.broadcast %squeeze3A_169 : f32 to vector<16xf32>
      %lt3A_176 = arith.cmpf olt, %mul3A_160, %lt3A_175 : vector<16xf32>
      %broadcast_in_dim3A_177 = vector.broadcast %scan3A_40 : f32 to vector<16xf32>
      %select_n3A_178 = arith.select %lt3A_176, %get3A_30, %broadcast_in_dim3A_177 : vector<16xi1>, vector<16xf32>
      %div3A_179 = vector.broadcast %max3A_174 : f32 to vector<16xf32>
      %div3A_180 = arith.divf %select_n3A_178, %div3A_179 : vector<16xf32>
      %add3A_181 = arith.addf %add3A_155, %div3A_180 : vector<16xf32>
      %add3A_182 = arith.constant 32 : i32
      %add3A_183 = arith.addi %mul3A_136, %add3A_182 : i32
      %get3A_184 = arith.index_cast %add3A_183 : i32 to index
      %get3A_185 = tpu.vector_load %arg6[%get3A_184] {strides = array<i32>} : memref<28672xf32, #tpu.memory_space<vmem>>, vector<16xf32>,
      %mul3A_186 = arith.mulf %get3A_30, %get3A_185 : vector<16xf32>
      %masked_sort3A_187 = arith.constant dense<true> : vector<16xi1>
      %masked_sort3A_188, %masked_sort3A_189, %masked_sort3A_190 = tpu.sort %mul3A_186, %get3A_30 masked %masked_sort3A_187 {descending = true} : (vector<16xf32>, vector<16xf32>, vector<16xi1>) -> (vector<16xi1>, vector<16xf32>, vector<16xf32>)
      %broadcast_in_dim3A_191 = arith.constant true
      %broadcast_in_dim3A_192 = vector.broadcast %broadcast_in_dim3A_191 : i1 to vector<16xi1>
      %masked_cumsum3A_193 = tpu.scan <sum>, %masked_sort3A_190 masked %broadcast_in_dim3A_192 : vector<16xf32>, vector<16xi1> -> vector<16xf32>
      %slice3A_194 = vector.extract_strided_slice %masked_sort3A_189 {offsets = [2], sizes = [1], strides = [1]} : vector<16xf32> to vector<1xf32>
      %squeeze3A_195 = vector.extract %slice3A_194[0] : f32 from vector<1xf32>
      %slice3A_196 = vector.extract_strided_slice %masked_cumsum3A_193 {offsets = [2], sizes = [1], strides = [1]} : vector<16xf32> to vector<1xf32>
      %squeeze3A_197 = vector.extract %slice3A_196[0] : f32 from vector<1xf32>
      %sub3A_198 = arith.subf %reduce_sum3A_34, %squeeze3A_197 : f32
      %max3A_199 = arith.constant 1.000000e-30 : f32
      %max3A_200 = arith.maximumf %sub3A_198, %max3A_199 : f32
      %lt3A_201 = vector.broadcast %squeeze3A_195 : f32 to vector<16xf32>
      %lt3A_202 = arith.cmpf olt, %mul3A_186, %lt3A_201 : vector<16xf32>
      %broadcast_in_dim3A_203 = vector.broadcast %scan3A_40 : f32 to vector<16xf32>
      %select_n3A_204 = arith.select %lt3A_202, %get3A_30, %broadcast_in_dim3A_203 : vector<16xi1>, vector<16xf32>
      %div3A_205 = vector.broadcast %max3A_200 : f32 to vector<16xf32>
      %div3A_206 = arith.divf %select_n3A_204, %div3A_205 : vector<16xf32>
      %add3A_207 = arith.addf %add3A_181, %div3A_206 : vector<16xf32>
      %add3A_208 = arith.constant 48 : i32
      %add3A_209 = arith.addi %mul3A_136, %add3A_208 : i32
      %get3A_210 = arith.index_cast %add3A_209 : i32 to index
      %get3A_211 = tpu.vector_load %arg6[%get3A_210] {strides = array<i32>} : memref<28672xf32, #tpu.memory_space<vmem>>, vector<16xf32>,
      %mul3A_212 = arith.mulf %get3A_30, %get3A_211 : vector<16xf32>
      %masked_sort3A_213 = arith.constant dense<true> : vector<16xi1>
      %masked_sort3A_214, %masked_sort3A_215, %masked_sort3A_216 = tpu.sort %mul3A_212, %get3A_30 masked %masked_sort3A_213 {descending = true} : (vector<16xf32>, vector<16xf32>, vector<16xi1>) -> (vector<16xi1>, vector<16xf32>, vector<16xf32>)
      %broadcast_in_dim3A_217 = arith.constant true
      %broadcast_in_dim3A_218 = vector.broadcast %broadcast_in_dim3A_217 : i1 to vector<16xi1>
      %masked_cumsum3A_219 = tpu.scan <sum>, %masked_sort3A_216 masked %broadcast_in_dim3A_218 : vector<16xf32>, vector<16xi1> -> vector<16xf32>
      %slice3A_220 = vector.extract_strided_slice %masked_sort3A_215 {offsets = [3], sizes = [1], strides = [1]} : vector<16xf32> to vector<1xf32>
      %squeeze3A_221 = vector.extract %slice3A_220[0] : f32 from vector<1xf32>
      %slice3A_222 = vector.extract_strided_slice %masked_cumsum3A_219 {offsets = [3], sizes = [1], strides = [1]} : vector<16xf32> to vector<1xf32>
      %squeeze3A_223 = vector.extract %slice3A_222[0] : f32 from vector<1xf32>
      %sub3A_224 = arith.subf %reduce_sum3A_34, %squeeze3A_223 : f32
      %max3A_225 = arith.constant 1.000000e-30 : f32
      %max3A_226 = arith.maximumf %sub3A_224, %max3A_225 : f32
      %lt3A_227 = vector.broadcast %squeeze3A_221 : f32 to vector<16xf32>
      %lt3A_228 = arith.cmpf olt, %mul3A_212, %lt3A_227 : vector<16xf32>
      %broadcast_in_dim3A_229 = vector.broadcast %scan3A_40 : f32 to vector<16xf32>
      %select_n3A_230 = arith.select %lt3A_228, %get3A_30, %broadcast_in_dim3A_229 : vector<16xi1>, vector<16xf32>
      %div3A_231 = vector.broadcast %max3A_226 : f32 to vector<16xf32>
      %div3A_232 = arith.divf %select_n3A_230, %div3A_231 : vector<16xf32>
      %add3A_233 = arith.addf %add3A_207, %div3A_232 : vector<16xf32>
      %add3A_234 = arith.constant 64 : i32
      %add3A_235 = arith.addi %mul3A_136, %add3A_234 : i32
      %get3A_236 = arith.index_cast %add3A_235 : i32 to index
      %get3A_237 = tpu.vector_load %arg6[%get3A_236] {strides = array<i32>} : memref<28672xf32, #tpu.memory_space<vmem>>, vector<16xf32>,
      %mul3A_238 = arith.mulf %get3A_30, %get3A_237 : vector<16xf32>
      %masked_sort3A_239 = arith.constant dense<true> : vector<16xi1>
      %masked_sort3A_240, %masked_sort3A_241, %masked_sort3A_242 = tpu.sort %mul3A_238, %get3A_30 masked %masked_sort3A_239 {descending = true} : (vector<16xf32>, vector<16xf32>, vector<16xi1>) -> (vector<16xi1>, vector<16xf32>, vector<16xf32>)
      %broadcast_in_dim3A_243 = arith.constant true
      %broadcast_in_dim3A_244 = vector.broadcast %broadcast_in_dim3A_243 : i1 to vector<16xi1>
      %masked_cumsum3A_245 = tpu.scan <sum>, %masked_sort3A_242 masked %broadcast_in_dim3A_244 : vector<16xf32>, vector<16xi1> -> vector<16xf32>
      %slice3A_246 = vector.extract_strided_slice %masked_sort3A_241 {offsets = [4], sizes = [1], strides = [1]} : vector<16xf32> to vector<1xf32>
      %squeeze3A_247 = vector.extract %slice3A_246[0] : f32 from vector<1xf32>
      %slice3A_248 = vector.extract_strided_slice %masked_cumsum3A_245 {offsets = [4], sizes = [1], strides = [1]} : vector<16xf32> to vector<1xf32>
      %squeeze3A_249 = vector.extract %slice3A_248[0] : f32 from vector<1xf32>
      %sub3A_250 = arith.subf %reduce_sum3A_34, %squeeze3A_249 : f32
      %max3A_251 = arith.constant 1.000000e-30 : f32
      %max3A_252 = arith.maximumf %sub3A_250, %max3A_251 : f32
      %lt3A_253 = vector.broadcast %squeeze3A_247 : f32 to vector<16xf32>
      %lt3A_254 = arith.cmpf olt, %mul3A_238, %lt3A_253 : vector<16xf32>
      %broadcast_in_dim3A_255 = vector.broadcast %scan3A_40 : f32 to vector<16xf32>
      %select_n3A_256 = arith.select %lt3A_254, %get3A_30, %broadcast_in_dim3A_255 : vector<16xi1>, vector<16xf32>
      %div3A_257 = vector.broadcast %max3A_252 : f32 to vector<16xf32>
      %div3A_258 = arith.divf %select_n3A_256, %div3A_257 : vector<16xf32>
      %add3A_259 = arith.addf %add3A_233, %div3A_258 : vector<16xf32>
      %add3A_260 = arith.constant 80 : i32
      %add3A_261 = arith.addi %mul3A_136, %add3A_260 : i32
      %get3A_262 = arith.index_cast %add3A_261 : i32 to index
      %get3A_263 = tpu.vector_load %arg6[%get3A_262] {strides = array<i32>} : memref<28672xf32, #tpu.memory_space<vmem>>, vector<16xf32>,
      %mul3A_264 = arith.mulf %get3A_30, %get3A_263 : vector<16xf32>
      %masked_sort3A_265 = arith.constant dense<true> : vector<16xi1>
      %masked_sort3A_266, %masked_sort3A_267, %masked_sort3A_268 = tpu.sort %mul3A_264, %get3A_30 masked %masked_sort3A_265 {descending = true} : (vector<16xf32>, vector<16xf32>, vector<16xi1>) -> (vector<16xi1>, vector<16xf32>, vector<16xf32>)
      %broadcast_in_dim3A_269 = arith.constant true
      %broadcast_in_dim3A_270 = vector.broadcast %broadcast_in_dim3A_269 : i1 to vector<16xi1>
      %masked_cumsum3A_271 = tpu.scan <sum>, %masked_sort3A_268 masked %broadcast_in_dim3A_270 : vector<16xf32>, vector<16xi1> -> vector<16xf32>
      %slice3A_272 = vector.extract_strided_slice %masked_sort3A_267 {offsets = [5], sizes = [1], strides = [1]} : vector<16xf32> to vector<1xf32>
      %squeeze3A_273 = vector.extract %slice3A_272[0] : f32 from vector<1xf32>
      %slice3A_274 = vector.extract_strided_slice %masked_cumsum3A_271 {offsets = [5], sizes = [1], strides = [1]} : vector<16xf32> to vector<1xf32>
      %squeeze3A_275 = vector.extract %slice3A_274[0] : f32 from vector<1xf32>
      %sub3A_276 = arith.subf %reduce_sum3A_34, %squeeze3A_275 : f32
      %max3A_277 = arith.constant 1.000000e-30 : f32
      %max3A_278 = arith.maximumf %sub3A_276, %max3A_277 : f32
      %lt3A_279 = vector.broadcast %squeeze3A_273 : f32 to vector<16xf32>
      %lt3A_280 = arith.cmpf olt, %mul3A_264, %lt3A_279 : vector<16xf32>
      %broadcast_in_dim3A_281 = vector.broadcast %scan3A_40 : f32 to vector<16xf32>
      %select_n3A_282 = arith.select %lt3A_280, %get3A_30, %broadcast_in_dim3A_281 : vector<16xi1>, vector<16xf32>
      %div3A_283 = vector.broadcast %max3A_278 : f32 to vector<16xf32>
      %div3A_284 = arith.divf %select_n3A_282, %div3A_283 : vector<16xf32>
      %add3A_285 = arith.addf %add3A_259, %div3A_284 : vector<16xf32>
      %add3A_286 = arith.constant 96 : i32
      %add3A_287 = arith.addi %mul3A_136, %add3A_286 : i32
      %get3A_288 = arith.index_cast %add3A_287 : i32 to index
      %get3A_289 = tpu.vector_load %arg6[%get3A_288] {strides = array<i32>} : memref<28672xf32, #tpu.memory_space<vmem>>, vector<16xf32>,
      %mul3A_290 = arith.mulf %get3A_30, %get3A_289 : vector<16xf32>
      %masked_sort3A_291 = arith.constant dense<true> : vector<16xi1>
      %masked_sort3A_292, %masked_sort3A_293, %masked_sort3A_294 = tpu.sort %mul3A_290, %get3A_30 masked %masked_sort3A_291 {descending = true} : (vector<16xf32>, vector<16xf32>, vector<16xi1>) -> (vector<16xi1>, vector<16xf32>, vector<16xf32>)
      %broadcast_in_dim3A_295 = arith.constant true
      %broadcast_in_dim3A_296 = vector.broadcast %broadcast_in_dim3A_295 : i1 to vector<16xi1>
      %masked_cumsum3A_297 = tpu.scan <sum>, %masked_sort3A_294 masked %broadcast_in_dim3A_296 : vector<16xf32>, vector<16xi1> -> vector<16xf32>
      %slice3A_298 = vector.extract_strided_slice %masked_sort3A_293 {offsets = [6], sizes = [1], strides = [1]} : vector<16xf32> to vector<1xf32>
      %squeeze3A_299 = vector.extract %slice3A_298[0] : f32 from vector<1xf32>
      %slice3A_300 = vector.extract_strided_slice %masked_cumsum3A_297 {offsets = [6], sizes = [1], strides = [1]} : vector<16xf32> to vector<1xf32>
      %squeeze3A_301 = vector.extract %slice3A_300[0] : f32 from vector<1xf32>
      %sub3A_302 = arith.subf %reduce_sum3A_34, %squeeze3A_301 : f32
      %max3A_303 = arith.constant 1.000000e-30 : f32
      %max3A_304 = arith.maximumf %sub3A_302, %max3A_303 : f32
      %lt3A_305 = vector.broadcast %squeeze3A_299 : f32 to vector<16xf32>
      %lt3A_306 = arith.cmpf olt, %mul3A_290, %lt3A_305 : vector<16xf32>
      %broadcast_in_dim3A_307 = vector.broadcast %scan3A_40 : f32 to vector<16xf32>
      %select_n3A_308 = arith.select %lt3A_306, %get3A_30, %broadcast_in_dim3A_307 : vector<16xi1>, vector<16xf32>
      %div3A_309 = vector.broadcast %max3A_304 : f32 to vector<16xf32>
      %div3A_310 = arith.divf %select_n3A_308, %div3A_309 : vector<16xf32>
      %add3A_311 = arith.addf %add3A_285, %div3A_310 : vector<16xf32>
      scf.yield %add3A_311 : vector<16xf32>
    }
    %scan3A_46 = arith.constant 128 : i32
    %mul3A_47 = arith.constant 9.765625E-4 : f32
    %mul3A_48 = vector.broadcast %mul3A_47 : f32 to vector<16xf32>
    %mul3A_49 = arith.mulf %scan3A_45, %mul3A_48 : vector<16xf32>
    %dma_wait3A = arith.constant 0 : i32
    %dma_wait3A_50 = arith.constant 0 : i32
    %dma_wait3A_51 = tpu.memref_slice %arg2[%mul3A_2, %dma_wait3A, %dma_wait3A_50] : memref<64x16x1280xf32, #tpu.memory_space<hbm>> -> memref<2x16x1280xf32, #tpu.memory_space<hbm>>
    %dma_wait3A_52 = arith.constant 0 : i32
    %dma_wait3A_53 = arith.constant 0 : i32
    %dma_wait3A_54 = tpu.memref_slice %arg2[%mul3A_2, %dma_wait3A_52, %dma_wait3A_53] : memref<64x16x1280xf32, #tpu.memory_space<hbm>> -> memref<2x16x1280xf32, #tpu.memory_space<hbm>>
    tpu.wait_dma2 semaphore(%arg10 : memref<!tpu.dma_semaphore, #tpu.memory_space<semaphore_mem>>) src(%dma_wait3A_54 : memref<2x16x1280xf32, #tpu.memory_space<hbm>>) dst(%arg7 : memref<2x16x1280xf32, #tpu.memory_space<vmem>>)
    %slice3A = vector.extract_strided_slice %mul3A_28 {offsets = [0], sizes = [1], strides = [1]} : vector<16xf32> to vector<1xf32>
    %squeeze3A = vector.extract %slice3A[0] : f32 from vector<1xf32>
    %slice3A_55 = vector.extract_strided_slice %mul3A_28 {offsets = [1], sizes = [1], strides = [1]} : vector<16xf32> to vector<1xf32>
    %squeeze3A_56 = vector.extract %slice3A_55[0] : f32 from vector<1xf32>
    %slice3A_57 = vector.extract_strided_slice %mul3A_28 {offsets = [2], sizes = [1], strides = [1]} : vector<16xf32> to vector<1xf32>
    %squeeze3A_58 = vector.extract %slice3A_57[0] : f32 from vector<1xf32>
    %slice3A_59 = vector.extract_strided_slice %mul3A_28 {offsets = [3], sizes = [1], strides = [1]} : vector<16xf32> to vector<1xf32>
    %squeeze3A_60 = vector.extract %slice3A_59[0] : f32 from vector<1xf32>
    %slice3A_61 = vector.extract_strided_slice %mul3A_28 {offsets = [4], sizes = [1], strides = [1]} : vector<16xf32> to vector<1xf32>
    %squeeze3A_62 = vector.extract %slice3A_61[0] : f32 from vector<1xf32>
    %slice3A_63 = vector.extract_strided_slice %mul3A_28 {offsets = [5], sizes = [1], strides = [1]} : vector<16xf32> to vector<1xf32>
    %squeeze3A_64 = vector.extract %slice3A_63[0] : f32 from vector<1xf32>
    %slice3A_65 = vector.extract_strided_slice %mul3A_28 {offsets = [6], sizes = [1], strides = [1]} : vector<16xf32> to vector<1xf32>
    %squeeze3A_66 = vector.extract %slice3A_65[0] : f32 from vector<1xf32>
    %slice3A_67 = vector.extract_strided_slice %mul3A_28 {offsets = [7], sizes = [1], strides = [1]} : vector<16xf32> to vector<1xf32>
    %squeeze3A_68 = vector.extract %slice3A_67[0] : f32 from vector<1xf32>
    %slice3A_69 = vector.extract_strided_slice %mul3A_28 {offsets = [8], sizes = [1], strides = [1]} : vector<16xf32> to vector<1xf32>
    %squeeze3A_70 = vector.extract %slice3A_69[0] : f32 from vector<1xf32>
    %slice3A_71 = vector.extract_strided_slice %mul3A_28 {offsets = [9], sizes = [1], strides = [1]} : vector<16xf32> to vector<1xf32>
    %squeeze3A_72 = vector.extract %slice3A_71[0] : f32 from vector<1xf32>
    %slice3A_73 = vector.extract_strided_slice %mul3A_28 {offsets = [10], sizes = [1], strides = [1]} : vector<16xf32> to vector<1xf32>
    %squeeze3A_74 = vector.extract %slice3A_73[0] : f32 from vector<1xf32>
    %slice3A_75 = vector.extract_strided_slice %mul3A_28 {offsets = [11], sizes = [1], strides = [1]} : vector<16xf32> to vector<1xf32>
    %squeeze3A_76 = vector.extract %slice3A_75[0] : f32 from vector<1xf32>
    %slice3A_77 = vector.extract_strided_slice %mul3A_28 {offsets = [12], sizes = [1], strides = [1]} : vector<16xf32> to vector<1xf32>
    %squeeze3A_78 = vector.extract %slice3A_77[0] : f32 from vector<1xf32>
    %slice3A_79 = vector.extract_strided_slice %mul3A_28 {offsets = [13], sizes = [1], strides = [1]} : vector<16xf32> to vector<1xf32>
    %squeeze3A_80 = vector.extract %slice3A_79[0] : f32 from vector<1xf32>
    %slice3A_81 = vector.extract_strided_slice %mul3A_28 {offsets = [14], sizes = [1], strides = [1]} : vector<16xf32> to vector<1xf32>
    %squeeze3A_82 = vector.extract %slice3A_81[0] : f32 from vector<1xf32>
    %slice3A_83 = vector.extract_strided_slice %mul3A_28 {offsets = [15], sizes = [1], strides = [1]} : vector<16xf32> to vector<1xf32>
    %squeeze3A_84 = vector.extract %slice3A_83[0] : f32 from vector<1xf32>
    %scan3A_85 = arith.constant 0 : i32
    %scan3A_86 = arith.constant 0 : i32
    %scan3A_87 = arith.constant 80 : i32
    %scan3A_88 = arith.addi %scan3A_86, %scan3A_87 : i32
    %scan3A_89 = arith.constant 1 : i32
    scf.for %scan3A_131 = %scan3A_86 to %scan3A_88 step %scan3A_89  : i32 {
      %mul3A_132 = arith.constant 16 : i32
      %mul3A_133 = arith.muli %scan3A_131, %mul3A_132 : i32
      %get3A_134 = arith.constant 0 : i32
      %get3A_135 = arith.constant 0 : i32
      %get3A_136 = arith.index_cast %get3A_134 : i32 to index
      %get3A_137 = arith.index_cast %get3A_135 : i32 to index
      %get3A_138 = arith.index_cast %mul3A_133 : i32 to index
      %get3A_139 = tpu.vector_load %arg7[%get3A_136, %get3A_137, %get3A_138] {strides = array<i32>} : memref<2x16x1280xf32, #tpu.memory_space<vmem>>, vector<16xf32>,
      %mul3A_140 = vector.broadcast %squeeze3A : f32 to vector<16xf32>
      %mul3A_141 = arith.mulf %mul3A_140, %get3A_139 : vector<16xf32>
      %get3A_142 = arith.constant 0 : i32
      %get3A_143 = arith.constant 1 : i32
      %get3A_144 = arith.index_cast %get3A_142 : i32 to index
      %get3A_145 = arith.index_cast %get3A_143 : i32 to index
      %get3A_146 = arith.index_cast %mul3A_133 : i32 to index
      %get3A_147 = tpu.vector_load %arg7[%get3A_144, %get3A_145, %get3A_146] {strides = array<i32>} : memref<2x16x1280xf32, #tpu.memory_space<vmem>>, vector<16xf32>,
      %mul3A_148 = vector.broadcast %squeeze3A_56 : f32 to vector<16xf32>
      %mul3A_149 = arith.mulf %mul3A_148, %get3A_147 : vector<16xf32>
      %add3A_150 = arith.addf %mul3A_141, %mul3A_149 : vector<16xf32>
      %get3A_151 = arith.constant 0 : i32
      %get3A_152 = arith.constant 2 : i32
      %get3A_153 = arith.index_cast %get3A_151 : i32 to index
      %get3A_154 = arith.index_cast %get3A_152 : i32 to index
      %get3A_155 = arith.index_cast %mul3A_133 : i32 to index
      %get3A_156 = tpu.vector_load %arg7[%get3A_153, %get3A_154, %get3A_155] {strides = array<i32>} : memref<2x16x1280xf32, #tpu.memory_space<vmem>>, vector<16xf32>,
      %mul3A_157 = vector.broadcast %squeeze3A_58 : f32 to vector<16xf32>
      %mul3A_158 = arith.mulf %mul3A_157, %get3A_156 : vector<16xf32>
      %add3A_159 = arith.addf %add3A_150, %mul3A_158 : vector<16xf32>
      %get3A_160 = arith.constant 0 : i32
      %get3A_161 = arith.constant 3 : i32
      %get3A_162 = arith.index_cast %get3A_160 : i32 to index
      %get3A_163 = arith.index_cast %get3A_161 : i32 to index
      %get3A_164 = arith.index_cast %mul3A_133 : i32 to index
      %get3A_165 = tpu.vector_load %arg7[%get3A_162, %get3A_163, %get3A_164] {strides = array<i32>} : memref<2x16x1280xf32, #tpu.memory_space<vmem>>, vector<16xf32>,
      %mul3A_166 = vector.broadcast %squeeze3A_60 : f32 to vector<16xf32>
      %mul3A_167 = arith.mulf %mul3A_166, %get3A_165 : vector<16xf32>
      %add3A_168 = arith.addf %add3A_159, %mul3A_167 : vector<16xf32>
      %get3A_169 = arith.constant 0 : i32
      %get3A_170 = arith.constant 4 : i32
      %get3A_171 = arith.index_cast %get3A_169 : i32 to index
      %get3A_172 = arith.index_cast %get3A_170 : i32 to index
      %get3A_173 = arith.index_cast %mul3A_133 : i32 to index
      %get3A_174 = tpu.vector_load %arg7[%get3A_171, %get3A_172, %get3A_173] {strides = array<i32>} : memref<2x16x1280xf32, #tpu.memory_space<vmem>>, vector<16xf32>,
      %mul3A_175 = vector.broadcast %squeeze3A_62 : f32 to vector<16xf32>
      %mul3A_176 = arith.mulf %mul3A_175, %get3A_174 : vector<16xf32>
      %add3A_177 = arith.addf %add3A_168, %mul3A_176 : vector<16xf32>
      %get3A_178 = arith.constant 0 : i32
      %get3A_179 = arith.constant 5 : i32
      %get3A_180 = arith.index_cast %get3A_178 : i32 to index
      %get3A_181 = arith.index_cast %get3A_179 : i32 to index
      %get3A_182 = arith.index_cast %mul3A_133 : i32 to index
      %get3A_183 = tpu.vector_load %arg7[%get3A_180, %get3A_181, %get3A_182] {strides = array<i32>} : memref<2x16x1280xf32, #tpu.memory_space<vmem>>, vector<16xf32>,
      %mul3A_184 = vector.broadcast %squeeze3A_64 : f32 to vector<16xf32>
      %mul3A_185 = arith.mulf %mul3A_184, %get3A_183 : vector<16xf32>
      %add3A_186 = arith.addf %add3A_177, %mul3A_185 : vector<16xf32>
      %get3A_187 = arith.constant 0 : i32
      %get3A_188 = arith.constant 6 : i32
      %get3A_189 = arith.index_cast %get3A_187 : i32 to index
      %get3A_190 = arith.index_cast %get3A_188 : i32 to index
      %get3A_191 = arith.index_cast %mul3A_133 : i32 to index
      %get3A_192 = tpu.vector_load %arg7[%get3A_189, %get3A_190, %get3A_191] {strides = array<i32>} : memref<2x16x1280xf32, #tpu.memory_space<vmem>>, vector<16xf32>,
      %mul3A_193 = vector.broadcast %squeeze3A_66 : f32 to vector<16xf32>
      %mul3A_194 = arith.mulf %mul3A_193, %get3A_192 : vector<16xf32>
      %add3A_195 = arith.addf %add3A_186, %mul3A_194 : vector<16xf32>
      %get3A_196 = arith.constant 0 : i32
      %get3A_197 = arith.constant 7 : i32
      %get3A_198 = arith.index_cast %get3A_196 : i32 to index
      %get3A_199 = arith.index_cast %get3A_197 : i32 to index
      %get3A_200 = arith.index_cast %mul3A_133 : i32 to index
      %get3A_201 = tpu.vector_load %arg7[%get3A_198, %get3A_199, %get3A_200] {strides = array<i32>} : memref<2x16x1280xf32, #tpu.memory_space<vmem>>, vector<16xf32>,
      %mul3A_202 = vector.broadcast %squeeze3A_68 : f32 to vector<16xf32>
      %mul3A_203 = arith.mulf %mul3A_202, %get3A_201 : vector<16xf32>
      %add3A_204 = arith.addf %add3A_195, %mul3A_203 : vector<16xf32>
      %get3A_205 = arith.constant 0 : i32
      %get3A_206 = arith.constant 8 : i32
      %get3A_207 = arith.index_cast %get3A_205 : i32 to index
      %get3A_208 = arith.index_cast %get3A_206 : i32 to index
      %get3A_209 = arith.index_cast %mul3A_133 : i32 to index
      %get3A_210 = tpu.vector_load %arg7[%get3A_207, %get3A_208, %get3A_209] {strides = array<i32>} : memref<2x16x1280xf32, #tpu.memory_space<vmem>>, vector<16xf32>,
      %mul3A_211 = vector.broadcast %squeeze3A_70 : f32 to vector<16xf32>
      %mul3A_212 = arith.mulf %mul3A_211, %get3A_210 : vector<16xf32>
      %add3A_213 = arith.addf %add3A_204, %mul3A_212 : vector<16xf32>
      %get3A_214 = arith.constant 0 : i32
      %get3A_215 = arith.constant 9 : i32
      %get3A_216 = arith.index_cast %get3A_214 : i32 to index
      %get3A_217 = arith.index_cast %get3A_215 : i32 to index
      %get3A_218 = arith.index_cast %mul3A_133 : i32 to index
      %get3A_219 = tpu.vector_load %arg7[%get3A_216, %get3A_217, %get3A_218] {strides = array<i32>} : memref<2x16x1280xf32, #tpu.memory_space<vmem>>, vector<16xf32>,
      %mul3A_220 = vector.broadcast %squeeze3A_72 : f32 to vector<16xf32>
      %mul3A_221 = arith.mulf %mul3A_220, %get3A_219 : vector<16xf32>
      %add3A_222 = arith.addf %add3A_213, %mul3A_221 : vector<16xf32>
      %get3A_223 = arith.constant 0 : i32
      %get3A_224 = arith.constant 10 : i32
      %get3A_225 = arith.index_cast %get3A_223 : i32 to index
      %get3A_226 = arith.index_cast %get3A_224 : i32 to index
      %get3A_227 = arith.index_cast %mul3A_133 : i32 to index
      %get3A_228 = tpu.vector_load %arg7[%get3A_225, %get3A_226, %get3A_227] {strides = array<i32>} : memref<2x16x1280xf32, #tpu.memory_space<vmem>>, vector<16xf32>,
      %mul3A_229 = vector.broadcast %squeeze3A_74 : f32 to vector<16xf32>
      %mul3A_230 = arith.mulf %mul3A_229, %get3A_228 : vector<16xf32>
      %add3A_231 = arith.addf %add3A_222, %mul3A_230 : vector<16xf32>
      %get3A_232 = arith.constant 0 : i32
      %get3A_233 = arith.constant 11 : i32
      %get3A_234 = arith.index_cast %get3A_232 : i32 to index
      %get3A_235 = arith.index_cast %get3A_233 : i32 to index
      %get3A_236 = arith.index_cast %mul3A_133 : i32 to index
      %get3A_237 = tpu.vector_load %arg7[%get3A_234, %get3A_235, %get3A_236] {strides = array<i32>} : memref<2x16x1280xf32, #tpu.memory_space<vmem>>, vector<16xf32>,
      %mul3A_238 = vector.broadcast %squeeze3A_76 : f32 to vector<16xf32>
      %mul3A_239 = arith.mulf %mul3A_238, %get3A_237 : vector<16xf32>
      %add3A_240 = arith.addf %add3A_231, %mul3A_239 : vector<16xf32>
      %get3A_241 = arith.constant 0 : i32
      %get3A_242 = arith.constant 12 : i32
      %get3A_243 = arith.index_cast %get3A_241 : i32 to index
      %get3A_244 = arith.index_cast %get3A_242 : i32 to index
      %get3A_245 = arith.index_cast %mul3A_133 : i32 to index
      %get3A_246 = tpu.vector_load %arg7[%get3A_243, %get3A_244, %get3A_245] {strides = array<i32>} : memref<2x16x1280xf32, #tpu.memory_space<vmem>>, vector<16xf32>,
      %mul3A_247 = vector.broadcast %squeeze3A_78 : f32 to vector<16xf32>
      %mul3A_248 = arith.mulf %mul3A_247, %get3A_246 : vector<16xf32>
      %add3A_249 = arith.addf %add3A_240, %mul3A_248 : vector<16xf32>
      %get3A_250 = arith.constant 0 : i32
      %get3A_251 = arith.constant 13 : i32
      %get3A_252 = arith.index_cast %get3A_250 : i32 to index
      %get3A_253 = arith.index_cast %get3A_251 : i32 to index
      %get3A_254 = arith.index_cast %mul3A_133 : i32 to index
      %get3A_255 = tpu.vector_load %arg7[%get3A_252, %get3A_253, %get3A_254] {strides = array<i32>} : memref<2x16x1280xf32, #tpu.memory_space<vmem>>, vector<16xf32>,
      %mul3A_256 = vector.broadcast %squeeze3A_80 : f32 to vector<16xf32>
      %mul3A_257 = arith.mulf %mul3A_256, %get3A_255 : vector<16xf32>
      %add3A_258 = arith.addf %add3A_249, %mul3A_257 : vector<16xf32>
      %get3A_259 = arith.constant 0 : i32
      %get3A_260 = arith.constant 14 : i32
      %get3A_261 = arith.index_cast %get3A_259 : i32 to index
      %get3A_262 = arith.index_cast %get3A_260 : i32 to index
      %get3A_263 = arith.index_cast %mul3A_133 : i32 to index
      %get3A_264 = tpu.vector_load %arg7[%get3A_261, %get3A_262, %get3A_263] {strides = array<i32>} : memref<2x16x1280xf32, #tpu.memory_space<vmem>>, vector<16xf32>,
      %mul3A_265 = vector.broadcast %squeeze3A_82 : f32 to vector<16xf32>
      %mul3A_266 = arith.mulf %mul3A_265, %get3A_264 : vector<16xf32>
      %add3A_267 = arith.addf %add3A_258, %mul3A_266 : vector<16xf32>
      %get3A_268 = arith.constant 0 : i32
      %get3A_269 = arith.constant 15 : i32
      %get3A_270 = arith.index_cast %get3A_268 : i32 to index
      %get3A_271 = arith.index_cast %get3A_269 : i32 to index
      %get3A_272 = arith.index_cast %mul3A_133 : i32 to index
      %get3A_273 = tpu.vector_load %arg7[%get3A_270, %get3A_271, %get3A_272] {strides = array<i32>} : memref<2x16x1280xf32, #tpu.memory_space<vmem>>, vector<16xf32>,
      %mul3A_274 = vector.broadcast %squeeze3A_84 : f32 to vector<16xf32>
      %mul3A_275 = arith.mulf %mul3A_274, %get3A_273 : vector<16xf32>
      %add3A_276 = arith.addf %add3A_267, %mul3A_275 : vector<16xf32>
      %add3A_277 = arith.constant 0 : i32
      %add3A_278 = arith.addi %add3A_277, %mul3A_133 : i32
      %swap3A = arith.index_cast %add3A_278 : i32 to index
      %swap3A_279 = tpu.vector_load %arg9[%swap3A] {strides = array<i32>} : memref<2560xf32, #tpu.memory_space<vmem>>, vector<16xf32>,
      tpu.vector_store %arg9[%swap3A], %add3A_276 {strides = array<i32>} : memref<2560xf32, #tpu.memory_space<vmem>>, vector<16xf32>,
    }
    %scan3A_90 = arith.constant 80 : i32
    %slice3A_91 = vector.extract_strided_slice %mul3A_49 {offsets = [0], sizes = [1], strides = [1]} : vector<16xf32> to vector<1xf32>
    %squeeze3A_92 = vector.extract %slice3A_91[0] : f32 from vector<1xf32>
    %slice3A_93 = vector.extract_strided_slice %mul3A_49 {offsets = [1], sizes = [1], strides = [1]} : vector<16xf32> to vector<1xf32>
    %squeeze3A_94 = vector.extract %slice3A_93[0] : f32 from vector<1xf32>
    %slice3A_95 = vector.extract_strided_slice %mul3A_49 {offsets = [2], sizes = [1], strides = [1]} : vector<16xf32> to vector<1xf32>
    %squeeze3A_96 = vector.extract %slice3A_95[0] : f32 from vector<1xf32>
    %slice3A_97 = vector.extract_strided_slice %mul3A_49 {offsets = [3], sizes = [1], strides = [1]} : vector<16xf32> to vector<1xf32>
    %squeeze3A_98 = vector.extract %slice3A_97[0] : f32 from vector<1xf32>
    %slice3A_99 = vector.extract_strided_slice %mul3A_49 {offsets = [4], sizes = [1], strides = [1]} : vector<16xf32> to vector<1xf32>
    %squeeze3A_100 = vector.extract %slice3A_99[0] : f32 from vector<1xf32>
    %slice3A_101 = vector.extract_strided_slice %mul3A_49 {offsets = [5], sizes = [1], strides = [1]} : vector<16xf32> to vector<1xf32>
    %squeeze3A_102 = vector.extract %slice3A_101[0] : f32 from vector<1xf32>
    %slice3A_103 = vector.extract_strided_slice %mul3A_49 {offsets = [6], sizes = [1], strides = [1]} : vector<16xf32> to vector<1xf32>
    %squeeze3A_104 = vector.extract %slice3A_103[0] : f32 from vector<1xf32>
    %slice3A_105 = vector.extract_strided_slice %mul3A_49 {offsets = [7], sizes = [1], strides = [1]} : vector<16xf32> to vector<1xf32>
    %squeeze3A_106 = vector.extract %slice3A_105[0] : f32 from vector<1xf32>
    %slice3A_107 = vector.extract_strided_slice %mul3A_49 {offsets = [8], sizes = [1], strides = [1]} : vector<16xf32> to vector<1xf32>
    %squeeze3A_108 = vector.extract %slice3A_107[0] : f32 from vector<1xf32>
    %slice3A_109 = vector.extract_strided_slice %mul3A_49 {offsets = [9], sizes = [1], strides = [1]} : vector<16xf32> to vector<1xf32>
    %squeeze3A_110 = vector.extract %slice3A_109[0] : f32 from vector<1xf32>
    %slice3A_111 = vector.extract_strided_slice %mul3A_49 {offsets = [10], sizes = [1], strides = [1]} : vector<16xf32> to vector<1xf32>
    %squeeze3A_112 = vector.extract %slice3A_111[0] : f32 from vector<1xf32>
    %slice3A_113 = vector.extract_strided_slice %mul3A_49 {offsets = [11], sizes = [1], strides = [1]} : vector<16xf32> to vector<1xf32>
    %squeeze3A_114 = vector.extract %slice3A_113[0] : f32 from vector<1xf32>
    %slice3A_115 = vector.extract_strided_slice %mul3A_49 {offsets = [12], sizes = [1], strides = [1]} : vector<16xf32> to vector<1xf32>
    %squeeze3A_116 = vector.extract %slice3A_115[0] : f32 from vector<1xf32>
    %slice3A_117 = vector.extract_strided_slice %mul3A_49 {offsets = [13], sizes = [1], strides = [1]} : vector<16xf32> to vector<1xf32>
    %squeeze3A_118 = vector.extract %slice3A_117[0] : f32 from vector<1xf32>
    %slice3A_119 = vector.extract_strided_slice %mul3A_49 {offsets = [14], sizes = [1], strides = [1]} : vector<16xf32> to vector<1xf32>
    %squeeze3A_120 = vector.extract %slice3A_119[0] : f32 from vector<1xf32>
    %slice3A_121 = vector.extract_strided_slice %mul3A_49 {offsets = [15], sizes = [1], strides = [1]} : vector<16xf32> to vector<1xf32>
    %squeeze3A_122 = vector.extract %slice3A_121[0] : f32 from vector<1xf32>
    %scan3A_123 = arith.constant 0 : i32
    %scan3A_124 = arith.constant 0 : i32
    %scan3A_125 = arith.constant 80 : i32
    %scan3A_126 = arith.addi %scan3A_124, %scan3A_125 : i32
    %scan3A_127 = arith.constant 1 : i32
    scf.for %scan3A_131 = %scan3A_124 to %scan3A_126 step %scan3A_127  : i32 {
      %mul3A_132 = arith.constant 16 : i32
      %mul3A_133 = arith.muli %scan3A_131, %mul3A_132 : i32
      %get3A_134 = arith.constant 1 : i32
      %get3A_135 = arith.constant 0 : i32
      %get3A_136 = arith.index_cast %get3A_134 : i32 to index
      %get3A_137 = arith.index_cast %get3A_135 : i32 to index
      %get3A_138 = arith.index_cast %mul3A_133 : i32 to index
      %get3A_139 = tpu.vector_load %arg7[%get3A_136, %get3A_137, %get3A_138] {strides = array<i32>} : memref<2x16x1280xf32, #tpu.memory_space<vmem>>, vector<16xf32>,
      %mul3A_140 = vector.broadcast %squeeze3A_92 : f32 to vector<16xf32>
      %mul3A_141 = arith.mulf %mul3A_140, %get3A_139 : vector<16xf32>
      %get3A_142 = arith.constant 1 : i32
      %get3A_143 = arith.constant 1 : i32
      %get3A_144 = arith.index_cast %get3A_142 : i32 to index
      %get3A_145 = arith.index_cast %get3A_143 : i32 to index
      %get3A_146 = arith.index_cast %mul3A_133 : i32 to index
      %get3A_147 = tpu.vector_load %arg7[%get3A_144, %get3A_145, %get3A_146] {strides = array<i32>} : memref<2x16x1280xf32, #tpu.memory_space<vmem>>, vector<16xf32>,
      %mul3A_148 = vector.broadcast %squeeze3A_94 : f32 to vector<16xf32>
      %mul3A_149 = arith.mulf %mul3A_148, %get3A_147 : vector<16xf32>
      %add3A_150 = arith.addf %mul3A_141, %mul3A_149 : vector<16xf32>
      %get3A_151 = arith.constant 1 : i32
      %get3A_152 = arith.constant 2 : i32
      %get3A_153 = arith.index_cast %get3A_151 : i32 to index
      %get3A_154 = arith.index_cast %get3A_152 : i32 to index
      %get3A_155 = arith.index_cast %mul3A_133 : i32 to index
      %get3A_156 = tpu.vector_load %arg7[%get3A_153, %get3A_154, %get3A_155] {strides = array<i32>} : memref<2x16x1280xf32, #tpu.memory_space<vmem>>, vector<16xf32>,
      %mul3A_157 = vector.broadcast %squeeze3A_96 : f32 to vector<16xf32>
      %mul3A_158 = arith.mulf %mul3A_157, %get3A_156 : vector<16xf32>
      %add3A_159 = arith.addf %add3A_150, %mul3A_158 : vector<16xf32>
      %get3A_160 = arith.constant 1 : i32
      %get3A_161 = arith.constant 3 : i32
      %get3A_162 = arith.index_cast %get3A_160 : i32 to index
      %get3A_163 = arith.index_cast %get3A_161 : i32 to index
      %get3A_164 = arith.index_cast %mul3A_133 : i32 to index
      %get3A_165 = tpu.vector_load %arg7[%get3A_162, %get3A_163, %get3A_164] {strides = array<i32>} : memref<2x16x1280xf32, #tpu.memory_space<vmem>>, vector<16xf32>,
      %mul3A_166 = vector.broadcast %squeeze3A_98 : f32 to vector<16xf32>
      %mul3A_167 = arith.mulf %mul3A_166, %get3A_165 : vector<16xf32>
      %add3A_168 = arith.addf %add3A_159, %mul3A_167 : vector<16xf32>
      %get3A_169 = arith.constant 1 : i32
      %get3A_170 = arith.constant 4 : i32
      %get3A_171 = arith.index_cast %get3A_169 : i32 to index
      %get3A_172 = arith.index_cast %get3A_170 : i32 to index
      %get3A_173 = arith.index_cast %mul3A_133 : i32 to index
      %get3A_174 = tpu.vector_load %arg7[%get3A_171, %get3A_172, %get3A_173] {strides = array<i32>} : memref<2x16x1280xf32, #tpu.memory_space<vmem>>, vector<16xf32>,
      %mul3A_175 = vector.broadcast %squeeze3A_100 : f32 to vector<16xf32>
      %mul3A_176 = arith.mulf %mul3A_175, %get3A_174 : vector<16xf32>
      %add3A_177 = arith.addf %add3A_168, %mul3A_176 : vector<16xf32>
      %get3A_178 = arith.constant 1 : i32
      %get3A_179 = arith.constant 5 : i32
      %get3A_180 = arith.index_cast %get3A_178 : i32 to index
      %get3A_181 = arith.index_cast %get3A_179 : i32 to index
      %get3A_182 = arith.index_cast %mul3A_133 : i32 to index
      %get3A_183 = tpu.vector_load %arg7[%get3A_180, %get3A_181, %get3A_182] {strides = array<i32>} : memref<2x16x1280xf32, #tpu.memory_space<vmem>>, vector<16xf32>,
      %mul3A_184 = vector.broadcast %squeeze3A_102 : f32 to vector<16xf32>
      %mul3A_185 = arith.mulf %mul3A_184, %get3A_183 : vector<16xf32>
      %add3A_186 = arith.addf %add3A_177, %mul3A_185 : vector<16xf32>
      %get3A_187 = arith.constant 1 : i32
      %get3A_188 = arith.constant 6 : i32
      %get3A_189 = arith.index_cast %get3A_187 : i32 to index
      %get3A_190 = arith.index_cast %get3A_188 : i32 to index
      %get3A_191 = arith.index_cast %mul3A_133 : i32 to index
      %get3A_192 = tpu.vector_load %arg7[%get3A_189, %get3A_190, %get3A_191] {strides = array<i32>} : memref<2x16x1280xf32, #tpu.memory_space<vmem>>, vector<16xf32>,
      %mul3A_193 = vector.broadcast %squeeze3A_104 : f32 to vector<16xf32>
      %mul3A_194 = arith.mulf %mul3A_193, %get3A_192 : vector<16xf32>
      %add3A_195 = arith.addf %add3A_186, %mul3A_194 : vector<16xf32>
      %get3A_196 = arith.constant 1 : i32
      %get3A_197 = arith.constant 7 : i32
      %get3A_198 = arith.index_cast %get3A_196 : i32 to index
      %get3A_199 = arith.index_cast %get3A_197 : i32 to index
      %get3A_200 = arith.index_cast %mul3A_133 : i32 to index
      %get3A_201 = tpu.vector_load %arg7[%get3A_198, %get3A_199, %get3A_200] {strides = array<i32>} : memref<2x16x1280xf32, #tpu.memory_space<vmem>>, vector<16xf32>,
      %mul3A_202 = vector.broadcast %squeeze3A_106 : f32 to vector<16xf32>
      %mul3A_203 = arith.mulf %mul3A_202, %get3A_201 : vector<16xf32>
      %add3A_204 = arith.addf %add3A_195, %mul3A_203 : vector<16xf32>
      %get3A_205 = arith.constant 1 : i32
      %get3A_206 = arith.constant 8 : i32
      %get3A_207 = arith.index_cast %get3A_205 : i32 to index
      %get3A_208 = arith.index_cast %get3A_206 : i32 to index
      %get3A_209 = arith.index_cast %mul3A_133 : i32 to index
      %get3A_210 = tpu.vector_load %arg7[%get3A_207, %get3A_208, %get3A_209] {strides = array<i32>} : memref<2x16x1280xf32, #tpu.memory_space<vmem>>, vector<16xf32>,
      %mul3A_211 = vector.broadcast %squeeze3A_108 : f32 to vector<16xf32>
      %mul3A_212 = arith.mulf %mul3A_211, %get3A_210 : vector<16xf32>
      %add3A_213 = arith.addf %add3A_204, %mul3A_212 : vector<16xf32>
      %get3A_214 = arith.constant 1 : i32
      %get3A_215 = arith.constant 9 : i32
      %get3A_216 = arith.index_cast %get3A_214 : i32 to index
      %get3A_217 = arith.index_cast %get3A_215 : i32 to index
      %get3A_218 = arith.index_cast %mul3A_133 : i32 to index
      %get3A_219 = tpu.vector_load %arg7[%get3A_216, %get3A_217, %get3A_218] {strides = array<i32>} : memref<2x16x1280xf32, #tpu.memory_space<vmem>>, vector<16xf32>,
      %mul3A_220 = vector.broadcast %squeeze3A_110 : f32 to vector<16xf32>
      %mul3A_221 = arith.mulf %mul3A_220, %get3A_219 : vector<16xf32>
      %add3A_222 = arith.addf %add3A_213, %mul3A_221 : vector<16xf32>
      %get3A_223 = arith.constant 1 : i32
      %get3A_224 = arith.constant 10 : i32
      %get3A_225 = arith.index_cast %get3A_223 : i32 to index
      %get3A_226 = arith.index_cast %get3A_224 : i32 to index
      %get3A_227 = arith.index_cast %mul3A_133 : i32 to index
      %get3A_228 = tpu.vector_load %arg7[%get3A_225, %get3A_226, %get3A_227] {strides = array<i32>} : memref<2x16x1280xf32, #tpu.memory_space<vmem>>, vector<16xf32>,
      %mul3A_229 = vector.broadcast %squeeze3A_112 : f32 to vector<16xf32>
      %mul3A_230 = arith.mulf %mul3A_229, %get3A_228 : vector<16xf32>
      %add3A_231 = arith.addf %add3A_222, %mul3A_230 : vector<16xf32>
      %get3A_232 = arith.constant 1 : i32
      %get3A_233 = arith.constant 11 : i32
      %get3A_234 = arith.index_cast %get3A_232 : i32 to index
      %get3A_235 = arith.index_cast %get3A_233 : i32 to index
      %get3A_236 = arith.index_cast %mul3A_133 : i32 to index
      %get3A_237 = tpu.vector_load %arg7[%get3A_234, %get3A_235, %get3A_236] {strides = array<i32>} : memref<2x16x1280xf32, #tpu.memory_space<vmem>>, vector<16xf32>,
      %mul3A_238 = vector.broadcast %squeeze3A_114 : f32 to vector<16xf32>
      %mul3A_239 = arith.mulf %mul3A_238, %get3A_237 : vector<16xf32>
      %add3A_240 = arith.addf %add3A_231, %mul3A_239 : vector<16xf32>
      %get3A_241 = arith.constant 1 : i32
      %get3A_242 = arith.constant 12 : i32
      %get3A_243 = arith.index_cast %get3A_241 : i32 to index
      %get3A_244 = arith.index_cast %get3A_242 : i32 to index
      %get3A_245 = arith.index_cast %mul3A_133 : i32 to index
      %get3A_246 = tpu.vector_load %arg7[%get3A_243, %get3A_244, %get3A_245] {strides = array<i32>} : memref<2x16x1280xf32, #tpu.memory_space<vmem>>, vector<16xf32>,
      %mul3A_247 = vector.broadcast %squeeze3A_116 : f32 to vector<16xf32>
      %mul3A_248 = arith.mulf %mul3A_247, %get3A_246 : vector<16xf32>
      %add3A_249 = arith.addf %add3A_240, %mul3A_248 : vector<16xf32>
      %get3A_250 = arith.constant 1 : i32
      %get3A_251 = arith.constant 13 : i32
      %get3A_252 = arith.index_cast %get3A_250 : i32 to index
      %get3A_253 = arith.index_cast %get3A_251 : i32 to index
      %get3A_254 = arith.index_cast %mul3A_133 : i32 to index
      %get3A_255 = tpu.vector_load %arg7[%get3A_252, %get3A_253, %get3A_254] {strides = array<i32>} : memref<2x16x1280xf32, #tpu.memory_space<vmem>>, vector<16xf32>,
      %mul3A_256 = vector.broadcast %squeeze3A_118 : f32 to vector<16xf32>
      %mul3A_257 = arith.mulf %mul3A_256, %get3A_255 : vector<16xf32>
      %add3A_258 = arith.addf %add3A_249, %mul3A_257 : vector<16xf32>
      %get3A_259 = arith.constant 1 : i32
      %get3A_260 = arith.constant 14 : i32
      %get3A_261 = arith.index_cast %get3A_259 : i32 to index
      %get3A_262 = arith.index_cast %get3A_260 : i32 to index
      %get3A_263 = arith.index_cast %mul3A_133 : i32 to index
      %get3A_264 = tpu.vector_load %arg7[%get3A_261, %get3A_262, %get3A_263] {strides = array<i32>} : memref<2x16x1280xf32, #tpu.memory_space<vmem>>, vector<16xf32>,
      %mul3A_265 = vector.broadcast %squeeze3A_120 : f32 to vector<16xf32>
      %mul3A_266 = arith.mulf %mul3A_265, %get3A_264 : vector<16xf32>
      %add3A_267 = arith.addf %add3A_258, %mul3A_266 : vector<16xf32>
      %get3A_268 = arith.constant 1 : i32
      %get3A_269 = arith.constant 15 : i32
      %get3A_270 = arith.index_cast %get3A_268 : i32 to index
      %get3A_271 = arith.index_cast %get3A_269 : i32 to index
      %get3A_272 = arith.index_cast %mul3A_133 : i32 to index
      %get3A_273 = tpu.vector_load %arg7[%get3A_270, %get3A_271, %get3A_272] {strides = array<i32>} : memref<2x16x1280xf32, #tpu.memory_space<vmem>>, vector<16xf32>,
      %mul3A_274 = vector.broadcast %squeeze3A_122 : f32 to vector<16xf32>
      %mul3A_275 = arith.mulf %mul3A_274, %get3A_273 : vector<16xf32>
      %add3A_276 = arith.addf %add3A_267, %mul3A_275 : vector<16xf32>
      %add3A_277 = arith.constant 1280 : i32
      %add3A_278 = arith.addi %add3A_277, %mul3A_133 : i32
      %swap3A = arith.index_cast %add3A_278 : i32 to index
      %swap3A_279 = tpu.vector_load %arg9[%swap3A] {strides = array<i32>} : memref<2560xf32, #tpu.memory_space<vmem>>, vector<16xf32>,
      tpu.vector_store %arg9[%swap3A], %add3A_276 {strides = array<i32>} : memref<2560xf32, #tpu.memory_space<vmem>>, vector<16xf32>,
    }
    %scan3A_128 = arith.constant 80 : i32
    %mul3A_129 = arith.constant 2560 : i32
    %mul3A_130 = arith.muli %add3A, %mul3A_129 : i32
    "tpu.region"() ({
      %run_scoped3A = tpu.sem_alloc : memref<!tpu.dma_semaphore, #tpu.memory_space<semaphore_mem>>
      %dma_start3A_131 = tpu.memref_slice %arg5[%mul3A_130] : memref<81920xf32, #tpu.memory_space<hbm>> -> memref<2560xf32, #tpu.memory_space<hbm>>
      %dma_start3A_132 = tpu.memref_slice %arg5[%mul3A_130] : memref<81920xf32, #tpu.memory_space<hbm>> -> memref<2560xf32, #tpu.memory_space<hbm>>
      tpu.enqueue_dma source(%arg9 : memref<2560xf32, #tpu.memory_space<vmem>>) target(%dma_start3A_132 : memref<2560xf32, #tpu.memory_space<hbm>>) target_semaphore(%run_scoped3A : memref<!tpu.dma_semaphore, #tpu.memory_space<semaphore_mem>>)
      %dma_wait3A_133 = tpu.memref_slice %arg5[%mul3A_130] : memref<81920xf32, #tpu.memory_space<hbm>> -> memref<2560xf32, #tpu.memory_space<hbm>>
      %dma_wait3A_134 = tpu.memref_slice %arg5[%mul3A_130] : memref<81920xf32, #tpu.memory_space<hbm>> -> memref<2560xf32, #tpu.memory_space<hbm>>
      tpu.wait_dma2 semaphore(%run_scoped3A : memref<!tpu.dma_semaphore, #tpu.memory_space<semaphore_mem>>) src(%arg9 : memref<2560xf32, #tpu.memory_space<vmem>>) dst(%dma_wait3A_134 : memref<2560xf32, #tpu.memory_space<hbm>>)
      tpu.yield
    }) : () -> ()
    return
  }
}

</mosaic_0001>

<sc_bundles>
// kernel: kernel.3.cloned.1.call-start
scs
__scs_entry_jumppad:
0x0: {  	(pc) =	sbr.rel $0x88, $3  }
0x1: {  	(tag) =	ssettag $0x0;
	lr =	simm.s32 $0x1  }
0x2: {  	[smem:$0x3F9F] =	sst lr;
	_ =	strace $0xD0000000  }
0x3: {  	_ = 	snop  }
0x4: {  	_ = 	snop  }
0x5: {  	_ = 	snop  }
0x6: {  	_ = 	snop  }
0x7: {  	_ = 	snop  }
__scs_overlays_trampoline_lowered:
0x8: {  	[smem:$0x3FAE] =	sst s0  }
0x9: {  	[smem:$0x3FAF] =	sst s1  }
0xa: {  	[smem:$0x3FB0] =	sst s2  }
0xb: {  	[smem:$0x3FB1] =	sst s3  }
0xc: {  	[smem:$0x3FB2] =	sst s4  }
0xd: {  	[smem:$0x3FB3] =	sst s5  }
0xe: {  	[smem:$0x3FB4] =	sst s6  }
0xf: {  	[smem:$0x3FB5] =	sst s7  }
0x10: {  	[smem:$0x3FB6] =	sst s8  }
0x11: {  	[smem:$0x3FB7] =	sst s9;
	s0 =	simm.s32 @!p0 $0x0  }
0x12: {  	s1 =	sld [smem:$0x3F9D];
	s0 =	simm.s32 @p0 $0x1  }
0x13: {  	[smem:$0x3FB8] =	sst s0;
	s0 =	simm.s32 @!p1 $0x0  }
0x14: {  	s2 =	sld [smem:$0x3F9C];
	s0 =	simm.s32 @p1 $0x1  }
0x15: {  	[smem:$0x3FB9] =	sst s0;
	s0 =	simm.s32 @!p2 $0x0  }
0x16: {  	s3 =	sld [smem:$0x3FDB];
	s0 =	simm.s32 @p2 $0x1  }
0x17: {  	s4 =	simm.s32 $0x1BF5;
	[smem:$0x3FBB] =	sst s0  }
0x18: {  	s0 =	sld [smem:$0x3F9E];
	_ =	swait.ge [sflag:s4], $0x0  }
0x19: {  	s7 =	sld [smem:$0x3F9F]  }
0x1a: {  	s8 =	sadd.s32 $0xFFFFE003, lr  }
0x1b: {  	s9 =	sadd.s32 $0xFFFFFEF7, lr;
	s5 =	simm.s32 $0xFFFFFFFF;
	p2 =	slt.u32 s8, $0xFFFFF086  }
0x1c: {  	p1 =	slt.u32 s9, $0xF7A;
	s5 =	simm.s32 @!p2 $0x0  }
0x1d: {  	s5 =	simm.s32 @p1 $0x1;
	p0 =	seq.s32 s7, s2  }
0x1e: {  	s7 =	smul.u32 @!p0 $0xF7A, s2;
	p2 =	seq.s32 @!p0 s5, $0x0  }
0x1f: {  	s9 =	smul.u32 $0xF7A, s1;
	s8 =	simm.s32 @!p0 $0x1BF5;
	p2 =	por !p2, p0  }
0x20: {  	[sflag:s8] =	ssyncset.s32 @!p0 $0xFFFFF086;
	s6 =	sadd.s32 @!p0 s3, s7;
	s7 =	simm.s32 @!p0 $0x108  }
0x21: {  	s3 =	sadd.s32 s3, s9;
	s6 =	sadd.s32 @!p0 $0x88, s6;
	s7 =	simm.s32 @p2 $0x1082  }
0x22: {  	[simem:s7], [sflag:s8] =	dma.local @!p0 [hbm:s6], $0xF7A  }
0x23: {  	s9 =	sor.u32 $0xD0000000, s2;
	s6 =	simm.s32 $0x108;
	_ =	swait.ge @!p0 [sflag:s8], $0x0  }
0x24: {  	s3 =	sadd.s32 $0x88, s3;
	s6 =	simm.s32 @!p1 $0x1082;
	[sflag:s4] =	ssyncset.s32 $0xFFFFF086  }
0x25: {  	[simem:s6], [sflag:s4] =	dma.local [hbm:s3], $0xF7A  }
0x26: {  	[smem:$0x3F9F] =	sst s1;
	(tag) =	ssettag s2;
	_ =	strace s9  }
0x27: {  	s1 =	sld [smem:$0x3FAF]  }
0x28: {  	s2 =	sld [smem:$0x3FB0]  }
0x29: {  	s4 =	sld [smem:$0x3FB2]  }
0x2a: {  	p0 =	seq.s32 s5, $0x0;
	s5 =	sld [smem:$0x3FB3]  }
0x2b: {  	s6 =	sld [smem:$0x3FB4]  }
0x2c: {  	s7 =	sld [smem:$0x3FB5]  }
0x2d: {  	s3 =	simm.s32 $0x108;
	s8 =	sld [smem:$0x3FB6]  }
0x2e: {  	s3 =	simm.s32 @!p0 $0x1082;
	s9 =	sld [smem:$0x3FB7]  }
0x2f: {  	lr =	sadd.s32 s0, s3;
	s0 =	sld [smem:$0x3FAE]  }
0x30: {  	s3 =	sld [smem:$0x3FB1]  }
0x31: {  	[smem:$0x3FBA] =	sst s10  }
0x32: {  	s10 =	sld [smem:$0x3FB8];
	_ =	sdelay $0x3  }
0x33: {  	p0 =	seq.s32 s10, $0x1;
	s10 =	sld [smem:$0x3FBA];
	_ =	sdelay $0x3  }
0x34: {  	[smem:$0x3FBA] =	sst s10  }
0x35: {  	s10 =	sld [smem:$0x3FB9];
	_ =	sdelay $0x3  }
0x36: {  	p1 =	seq.s32 s10, $0x1;
	s10 =	sld [smem:$0x3FBA];
	_ =	sdelay $0x3  }
0x37: {  	[smem:$0x3FBA] =	sst s10  }
0x38: {  	s10 =	sld [smem:$0x3FBB]  }
0x39: {  	_ = 	snop;
	(pc) =	sbr.ind lr, $3  }
0x3a: {  	_ = 	snop  }
0x3b: {  	_ = 	snop  }
0x3c: {  	p2 =	seq.s32 s10, $0x1;
	s10 =	sld [smem:$0x3FBA]  }
0x3d: {  	_ =	shalt  }
0x3e: {  	_ =	shalt  }
0x3f: {  	_ =	shalt  }
0x40: {  	_ =	shalt  }
0x41: {  	_ =	shalt  }
0x42: {  	_ =	shalt  }
0x43: {  	_ =	shalt  }
0x44: {  	_ =	shalt  }
0x45: {  	_ =	shalt  }
0x46: {  	_ =	shalt  }
0x47: {  	_ =	shalt  }
0x48: {  	_ =	shalt  }
0x49: {  	_ =	shalt  }
0x4a: {  	_ =	shalt  }
0x4b: {  	_ =	shalt  }
0x4c: {  	_ =	shalt  }
0x4d: {  	_ =	shalt  }
0x4e: {  	_ =	shalt  }
0x4f: {  	_ =	shalt  }
0x50: {  	_ =	shalt  }
0x51: {  	_ =	shalt  }
0x52: {  	_ =	shalt  }
0x53: {  	_ =	shalt  }
0x54: {  	_ =	shalt  }
0x55: {  	_ =	shalt  }
0x56: {  	_ =	shalt  }
0x57: {  	_ =	shalt  }
0x58: {  	_ =	shalt  }
0x59: {  	_ =	shalt  }
0x5a: {  	_ =	shalt  }
0x5b: {  	_ =	shalt  }
0x5c: {  	_ =	shalt  }
0x5d: {  	_ =	shalt  }
0x5e: {  	_ =	shalt  }
0x5f: {  	_ =	shalt  }
0x60: {  	_ =	shalt  }
0x61: {  	_ =	shalt  }
0x62: {  	_ =	shalt  }
0x63: {  	_ =	shalt  }
0x64: {  	_ =	shalt  }
0x65: {  	_ =	shalt  }
0x66: {  	_ =	shalt  }
0x67: {  	_ =	shalt  }
0x68: {  	_ =	shalt  }
0x69: {  	_ =	shalt  }
0x6a: {  	_ =	shalt  }
0x6b: {  	_ =	shalt  }
0x6c: {  	_ =	shalt  }
0x6d: {  	_ =	shalt  }
0x6e: {  	_ =	shalt  }
0x6f: {  	_ =	shalt  }
0x70: {  	_ =	shalt  }
0x71: {  	_ =	shalt  }
0x72: {  	_ =	shalt  }
0x73: {  	_ =	shalt  }
0x74: {  	_ =	shalt  }
0x75: {  	_ =	shalt  }
0x76: {  	_ =	shalt  }
0x77: {  	_ =	shalt  }
0x78: {  	_ =	shalt  }
0x79: {  	_ =	shalt  }
0x7a: {  	_ =	shalt  }
0x7b: {  	_ =	shalt  }
0x7c: {  	_ =	shalt  }
0x7d: {  	_ =	shalt  }
0x7e: {  	_ =	shalt  }
0x7f: {  	_ =	shalt  }
0x80: {  	_ =	shalt  }
0x81: {  	_ =	shalt  }
0x82: {  	_ =	shalt  }
0x83: {  	_ =	shalt  }
0x84: {  	_ =	shalt  }
0x85: {  	_ =	shalt  }
0x86: {  	_ =	shalt  }
0x87: {  	_ =	shalt  }
.Lfunc_end0:
.L_simem_size_0:
called_computation_lowered:
.L_overlay_start_0:
0x88: {  	s2 =	sld [smem:$0x3FD9]  }
0x89: {  	s3 =	sld [smem:$0x3FFE];
	_ =	sdelay $0x1  }
0x8a: {  	s1 =	srdreg.scid  }
0x8b: {  	s0 =	sand.u32 $0x1, s1  }
0x8c: {  	s17 =	sshll.u32 s0, $0xA;
	s2 =	sadd.s32 s3, s2  }
0x8d: {  	s2 =	sadd.s32 s2, s17  }
0x8e: {  	[smem:$0x3FC6] =	sst s2  }
0x8f: {  	_ = 	snop  }
0x90: {  	s2 =	sld [smem:$0x3FC9]  }
0x91: {  	s18 =	sld [smem:$0x3FD0];
	(tm) =	ssettm $0x1  }
0x92: {  	s4 =	sld [smem:$0x3FFB];
	_ =	sdelay $0x3  }
0x93: {  	_ =	strace s4  }
0x94: {  	s4 =	sld [smem:$0x3FFC];
	_ =	sdelay $0x3  }
0x95: {  	_ =	strace s4  }
0x96: {  	s4 =	sld [smem:$0x3FFD];
	_ =	sdelay $0x3  }
0x97: {  	_ =	strace s4  }
0x98: {  	_ =	strace $0x8FFFFFFF  }
0x99: {  	s19 =	sld [smem:$0x3FDB];
	_ =	sdelay $0x1  }
0x9a: {  	s5 =	simm.s32 $_scs_section_size  }
0x9b: {  	s6 =	simm.s32 $_size__tile_overlayer_lowered;
	s7 =	simm.s32 $_tile_overlayer_lowered  }
0x9c: {  	s22 =	simm.s32 $0x1BFF;
	s21 =	sshll.u32 s7, $0x1;
	s4 =	sadd.s32 s5, s19  }
0x9d: {  	s8 =	simm.s32 $0x0;
	s20 =	sshll.u32 s6, $0x1;
	s6 =	sadd.s32 s21, s4  }
0x9e: {  	[timem:s8], [sflag:s22] =	dma.local [hbm:s6], s20  }
0x9f: {  	_ =	swait.ge [sflag:s22], s20  }
0xa0: {  	s5 =	ssub.s32 $0x0, s20;
	[sflag:s22] =	ssyncset.done $0x0  }
0xa1: {  	[sflag:s22] =	ssyncadd.s32 s5;
	_ =	sdelay $0x1  }
0xa2: {  	s23 =	simm.s32 $0x1B8B  }
0xa3: {  	_ =	swait.ge [sflag:s23], $0x1  }
0xa4: {  	[sflag:s23] =	ssyncset.done $0x0  }
0xa5: {  	s25 =	simm.s32 $0x1B8E;
	s24 =	sld [smem:$0x3FFE];
	[sflag:s23] =	ssyncadd.s32 $0xFFFFFFFF  }
0xa6: {  	s26 =	simm.s32 $execute0_lowered;
	[smem:$0x3FD2] =	sst s25  }
0xa7: {  	s6 =	sshll.u32 s26, $0x1;
	_ =	strace $0x80000046;
	[dreg:$0x1] =	wrdreg $0xFFFFFFFF  }
0xa8: {  	s28 =	simm.s32 $_size_execute0_lowered;
	s4 =	sadd.s32 s4, s6;
	[dreg:$0x0] =	wrdreg $0x0  }
0xa9: {  	s6 =	sshll.u32 s28, $0x1;
	[dreg:$0x2] =	wrdreg s4  }
0xaa: {  	[dreg:$0x3] =	wrdreg s6  }
0xab: {  	[dreg:$0x4] =	wrdreg $0xC0  }
0xac: {  	_ =	task [dreg:s8], $0x5FFFF  }
0xad: {  	[dreg:$0x1] =	wrdreg $0xFFFFFFFF  }
0xae: {  	[dreg:$0x0] =	wrdreg $0x60  }
0xaf: {  	[dreg:$0x2] =	wrdreg s2  }
0xb0: {  	[dreg:$0x3] =	wrdreg s18  }
0xb1: {  	[dreg:$0x4] =	wrdreg s24  }
0xb2: {  	[dreg:$0x5] =	wrdreg $0x9  }
0xb3: {  	_ =	task.clear_ibuf [dreg:s8], $0x6FFFF;
	_ =	strace $0x90000046  }
0xb4: {  	s29 =	simm.s32 $0x9;
	_ =	strace $0x80000048  }
0xb5: {  	_ =	swait.ge [sflag:s29], $0x1  }
0xb6: {  	[sflag:s29] =	ssyncadd.s32 $0xFFFFFFFF  }
0xb7: {  	_ =	strace $0x90000048  }
0xb8: {  	_ =	sfence  }
0xb9: {  	s30 =	sld [smem:$0x0];
	_ =	sdelay $0x2  }
0xba: {  	s31 =	sshll.u32 s1, $0xD;
	s1 =	sshrl.u32 s1, $0x2  }
0xbb: {  	s3 =	sand.u32 $0x4000, s31;
	s1 =	sadd.s32 s1, s30  }
0xbc: {  	s0 =	sor.u32 s3, s0;
	s1 =	sshll.u32 s1, $0x11  }
0xbd: {  	s0 =	sor.u32 s1, s0  }
0xbe: {  	s0 =	sadd.s32 $0x8F2B, s0  }
0xbf: {  	[sflag:s0] =	ssyncadd.remote.s32 $0x1  }
0xc0: {  	_ =	sfence.sel $0xFFFF  }
0xc1: {  	[dreg:$0x0] =	wrdreg $0xFFFFFFFF;
	(pc) =	sbr.abs _section_cstart, $3  }
0xc2: {  	[dreg:$0x1] =	wrdreg $0xFFFFFFFF  }
0xc3: {  	_ =	task.clear_ibuf [dreg:s8], $0x2FFFF;
	_ =	strace $0x9FFFFFFF  }
0xc4: {  	(tm) =	ssettm $0x7FFFFFFF  }
0xc5: {  	_ =	shalt  }
tec
execute0_lowered:
.L_overlay_start_1:
0x0: {  	(tag) =	ssettag $0x1  }
0x1: {  	s3 =	rddreg [dreg:$0x0]  }
0x2: {  	s4 =	rddreg [dreg:$0x1];
	s1 =	srdreg.scid  }
0x3: {  	s0 =	stileid.u32;
	s5 =	rddreg [dreg:$0x2]  }
0x4: {  	s2 =	simm.s32 $0x0;
	s6 =	sand.u32 $0x1, s1;
	s7 =	sshll.u32 s0, $0x1  }
0x5: {  	s12 =	simm.s32 $0x11080;
	s1 =	rddreg [dreg:$0x3];
	s7 =	sor.u32 s6, s7  }
0x6: {  	s13 =	simm.s32 $0x0;
	[smem:$0x7FF] =	sst s2;
	s8 =	smul.u32 $0xE00, s7  }
0x7: {  	_ =	strace $0x80000047;
	s6 =	ssub.s32 $0x2, s6;
	s9 =	smul.u32 $0x140, s7  }
0x8: {  	s10 =	smul.u32 $0x1400, s7;
	s31 =	sshrl.u32 s6, $0x1;
	s7 =	sshll.u32 s7, $0x2  }
0x9: {  	s11 =	ssub.s32 s6, s31;
	s4 =	sadd.s32 s4, s7;
	s8 =	sadd.s32 s8, s5  }
0xa: {  	s9 =	sadd.s32 s9, s5;
	s3 =	sadd.s32 s3, s10;
	s7 =	smax.u32 s11, $0x1  }
0xb: {  	s10 =	simm.s32 $0x2;
	s11 =	simm.s32 $0x1;
	s5 =	sadd.s32 $0x400, s8  }
0xc: {  	s6 =	sadd.s32 $0x1C400, s9;
	s8 =	simm.s32 $0x7000;
	s9 =	simm.s32 $0x11000  }
.LBB2_1:
0xd: {  	[tilespmem:s8], [sflag:$0x1] =	stream.linear.gather [hbm4b:s3+s2], $0xA000, $0x38;
	[tilespmem:$0x11A80] =	vst v63  }
0xe: {  	_ = 	snop  }
0xf: {  	[tilespmem:s9], [sflag:$0x2] =	stream.linear.gather [hbm4b:s4+s2], $0x20, $0x38;
	[tilespmem:$0x11A80] =	vst v63  }
0x10: {  	_ =	swait.ge [sflag:s10], $0x20  }
0x11: {  	[sflag:s10] =	ssyncset.done $0x0  }
0x12: {  	[sflag:s10] =	ssyncadd.s32 $0xFFFFFFE0  }
0x13: {  	[tilespmem:s2], [sflag:$0x2] =	stream.linear.gather [hbm4b:s5+s2], $0x7000, $0x38;
	[tilespmem:$0x11A80] =	vst v63  }
0x14: {  	_ =	swait.ge [sflag:s10], $0x7000  }
0x15: {  	[sflag:s10] =	ssyncset.done $0x0  }
0x16: {  	[sflag:s10] =	ssyncadd.s32 $0xFFFF9000  }
0x17: {  	s14 =	simm.s32 $0x0;
	v1 =	vld [tilespmem:$0x11000]  }
0x18: {  	v0 =	vld [tilespmem:s14+$0x10]  }
0x19: {  	v2 =	vld [tilespmem:s14+$0x30]  }
0x1a: {  	v3 =	vld [tilespmem:s14+$0x0];
	_ =	sdelay $0x1  }
0x1b: {  	v4 =	vld [tilespmem:s14+$0x50]  }
0x1c: {  	v0 =	vmul.f32 v0, v1  }
0x1d: {  	v5 =	vld [tilespmem:s14+$0x20];
	v2 =	vmul.f32 v2, v1  }
0x1e: {  	v6 =	vld [tilespmem:s14+$0x40];
	v3 =	vmul.f32 v3, v1;
	(xrf1) =	vsort.dscd.msk.f32 $0xffff, v0, v1  }
0x1f: {  	(xrf1) =	vsort.dscd.msk.f32 $0xffff, v2, v1  }
0x20: {  	v4 =	vmul.f32 v4, v1;
	(xrf1) =	vsort.dscd.msk.f32 $0xffff, v3, v1;
	_ =	sdelay $0x1  }
0x21: {  	v5 =	vmul.f32 v5, v1;
	(xrf1) =	vsort.dscd.msk.f32 $0xffff, v4, v1  }
0x22: {  	v6 =	vmul.f32 v6, v1  }
0x23: {  	(xrf1) =	vsort.dscd.msk.f32 $0xffff, v5, v1  }
0x24: {  	(xrf1) =	vsort.dscd.msk.f32 $0xffff, v6, v1  }
0x25: {  	v7 =	vld [tilespmem:s14+$0x60];
	_ =	sdelay $0x4  }
0x26: {  	v7 =	vmul.f32 v7, v1  }
0x27: {  	(xrf2) =	vadd.scan.msk.f32 $0xffff, v1;
	v8, v9, _ =	vpop (xrf1)  }
0x28: {  	(xrf1) =	vsort.dscd.msk.f32 $0xffff, v7, v1;
	v11, v12, _ =	vpop (xrf1)  }
0x29: {  	s23 =	simm.s32 $0x70;
	(xrf2) =	vadd.scan.msk.f32 $0xffff, v9;
	v9, v13, _ =	vpop (xrf1)  }
0x2a: {  	v10 =	vld [tilespmem:s23+$0x10];
	(xrf2) =	vadd.scan.msk.f32 $0xffff, v13  }
0x2b: {  	v15 =	vld [tilespmem:s23+$0x30];
	v13, v14, _ =	vpop (xrf1)  }
0x2c: {  	(xrf2) =	vadd.scan.msk.f32 $0xffff, v14;
	v14 =	vld [tilespmem:s23+$0x0]  }
0x2d: {  	v16, v17, _ =	vpop (xrf1)  }
0x2e: {  	v18 =	vld [tilespmem:s23+$0x50];
	v19, v20, _ =	vpop (xrf1)  }
0x2f: {  	v10 =	vmul.f32 v10, v1;
	(xrf2) =	vadd.scan.msk.f32 $0xffff, v20  }
0x30: {  	v15 =	vmul.f32 v15, v1;
	v20 =	vld [tilespmem:s23+$0x20]  }
0x31: {  	v21 =	vld [tilespmem:s23+$0x40];
	v22, _, _ =	vpop (xrf2);
	(xrf1) =	vsort.dscd.msk.f32 $0xffff, v10, v1;
	v14 =	vmul.f32 v14, v1  }
0x32: {  	(v2sf) =	vpush v22, $0xF;
	v22 =	vbroadcast v22, $0xF;
	(xrf1) =	vsort.dscd.msk.f32 $0xffff, v15, v1  }
0x33: {  	v18 =	vmul.f32 v18, v1;
	v23, _, _ =	vpop (xrf2);
	(xrf1) =	vsort.dscd.msk.f32 $0xffff, v14, v1  }
0x34: {  	(erf) = vrcp.f32 v22;
	v24, _, _ =	vpop (xrf2);
	(xrf2) =	vadd.scan.msk.f32 $0xffff, v17  }
0x35: {  	(xrf1) =	vsort.dscd.msk.f32 $0xffff, v18, v1;
	v17 =	vmul.f32 v20, v1  }
0x36: {  	v21 =	vmul.f32 v21, v1;
	v20, _, _ =	vpop (xrf2);
	(v2sf) =	vpush v24, $0x0;
	(xrf2) =	vadd.scan.msk.f32 $0xffff, v12  }
0x37: {  	(v2sf) =	vpush v20, $0x5;
	(xrf1) =	vsort.dscd.msk.f32 $0xffff, v17, v1  }
0x38: {  	v57 =	vld [tilespmem:s23+$0x60];
	v12, v20, _ =	vpop (xrf1);
	(xrf1) =	vsort.dscd.msk.f32 $0xffff, v21, v1  }
0x39: {  	v58, _, _ =	vpop (xrf2)  }
0x3a: {  	v8 =	vbroadcast v8, $0x1;
	(v2sf) =	vpush v58, $0x4;
	(xrf2) =	vadd.scan.msk.f32 $0xffff, v20  }
0x3b: {  	(v2sf) =	vpush v23, $0x1  }
0x3c: {  	vm0 =	vlt.f32 v0, v8;
	v0 =	vbroadcast v9, $0x0  }
0x3d: {  	v61 =	vpop (erf);
	v20 =	vmul.f32 v57, v1  }
0x3e: {  	vm1 =	vlt.f32 v3, v0;
	v3 =	vbroadcast v19, $0x4;
	v8, _, _ =	vpop (xrf2)  }
0x3f: {  	v59, v60, _ =	vpop (xrf1);
	(xrf1) =	vsort.dscd.msk.f32 $0xffff, v20, v1;
	(v2sf) =	vpush v8, $0x2  }
0x40: {  	s15 =	simm.s32 $0xE0;
	v0 =	vbroadcast v16, $0x2;
	v16, _, _ =	vpop (xrf2)  }
0x41: {  	v11 =	vbroadcast v11, $0x3;
	v13 =	vbroadcast v13, $0x5;
	v8 =	vld [tilespmem:s15+$0x10];
	(v2sf) =	vpush v16, $0x3;
	v16, v19, _ =	vpop (xrf1)  }
0x42: {  	v9 =	vmul.f32 $1.280000000e+02, v1;
	vm2 =	vlt.f32 v5, v0;
	v0 =	vld [tilespmem:s15+$0x0];
	vm3 =	vlt.f32 v6, v3;
	v3, v5, _ =	vpop (xrf1)  }
0x43: {  	vm7 =	vlt.f32 v2, v11;
	v11 =	vld [tilespmem:s15+$0x30];
	vm5 =	vlt.f32 v4, v13;
	(xrf2) =	vadd.scan.msk.f32 $0xffff, v60;
	v4, v6, _ =	vpop (xrf1)  }
0x44: {  	v2 =	vld [tilespmem:s15+$0x20];
	v9 =	vmul.f32 v61, v9;
	vm5 =	vmmov vm5;
	vm2 =	vmmov vm2;
	s14 =	spop (v2sf);
	(xrf2) =	vadd.scan.msk.f32 $0xffff, v5;
	v5, _, _ =	vpop (xrf2)  }
0x45: {  	vm4 =	vmmov vm3;
	vm3 =	vmmov vm1;
	v12 =	vbroadcast v12, $0x6;
	s16 =	spop (v2sf);
	v13, v62, _ =	vpop (xrf1)  }
0x46: {  	vm11 =	vmmov vm2;
	(xrf2) =	vadd.scan.msk.f32 $0xffff, v6;
	(v2sf) =	vpush v5, $0x6;
	v8 =	vmul.f32 v8, v1;
	s16 =	ssub.f32 s14, s16;
	s17 =	spop (v2sf);
	v63, v5, _ =	vpop (xrf1)  }
0x47: {  	v22 =	vbroadcast v59, $0x1;
	vm6 =	vlt.f32 v7, v12;
	v12 =	vld [tilespmem:s15+$0x40];
	v7 =	vmul.f32 v0, v1;
	s17 =	ssub.f32 s14, s17;
	(xrf2) =	vadd.scan.msk.f32 $0xffff, v5  }
0x48: {  	v25 =	vld [tilespmem:s15+$0x50];
	v0 =	vmul.f32 v11, v1;
	vm1 =	vmmov vm6;
	v16 =	vbroadcast v16, $0x3;
	(xrf1) =	vsort.dscd.msk.f32 $0xffff, v8, v1;
	s16 =	smax.f32 s16, $1.000000000e-30  }
0x49: {  	v3 =	vbroadcast v3, $0x0;
	v6 =	vmul.f32 v2, v1;
	s25 =	spop (v2sf);
	(xrf2) =	vadd.scan.msk.f32 $0xffff, v62;
	v2 =	vmov s16;
	s24 =	smax.f32 s17, $1.000000000e-30  }
0x4a: {  	v26 =	vbroadcast v4, $0x5;
	s26 =	spop (v2sf);
	(erf) = vrcp.f32 v2;
	v2 =	vmov s24  }
0x4b: {  	vm6 =	vmmov vm7;
	v4 =	vld [tilespmem:s15+$0x60];
	(xrf1) =	vsort.dscd.msk.f32 $0xffff, v0, v1;
	s15 =	ssub.f32 s14, s26;
	(erf) = vrcp.f32 v2;
	v2 =	vbroadcast v13, $0x2  }
0x4c: {  	vm7 =	vmmov vm0;
	v5 =	vmul.f32 v12, v1;
	v12 =	vbroadcast v63, $0x4;
	(xrf1) =	vsort.dscd.msk.f32 $0xffff, v7, v1  }
0x4d: {  	vm0 =	vlt.f32 v10, v22;
	vm13 =	vlt.f32 v14, v3;
	v3 =	vmul.f32 v25, v1;
	v10, v11, _ =	vpop (xrf1);
	s15 =	smax.f32 s15, $1.000000000e-30  }
0x4e: {  	vm9 =	vlt.f32 v15, v16;
	vm12 =	vlt.f32 v21, v12;
	s16 =	ssub.f32 s14, s25;
	v13, _, _ =	vpop (xrf2);
	v12 =	vmov s15;
	s28 =	spop (v2sf)  }
0x4f: {  	v10 =	vbroadcast v10, $0x6;
	(xrf1) =	vsort.dscd.msk.f32 $0xffff, v3, v1;
	vm8 =	vlt.f32 v17, v2;
	(erf) = vrcp.f32 v12;
	v2, _, _ =	vpop (xrf2);
	s15 =	ssub.f32 s14, s28  }
0x50: {  	vm14 =	vlt.f32 v18, v26;
	v4 =	vmul.f32 v4, v1;
	s16 =	smax.f32 s16, $1.000000000e-30;
	(v2sf) =	vpush v2, $0x0;
	v2, _, _ =	vpop (xrf2)  }
0x51: {  	(xrf2) =	vadd.scan.msk.f32 $0xffff, v19;
	vm10 =	vlt.f32 v20, v10;
	v10 =	vmov s16;
	s29 =	spop (v2sf);
	(v2sf) =	vpush v2, $0x5;
	v2, _, _ =	vpop (xrf2);
	s15 =	smax.f32 s15, $1.000000000e-30  }
0x52: {  	(xrf1) =	vsort.dscd.msk.f32 $0xffff, v6, v1;
	vm2 =	vmmov vm8;
	s16 =	ssub.f32 s14, s29;
	(v2sf) =	vpush v2, $0x4;
	v2 =	vmov s15  }
0x53: {  	(xrf1) =	vsort.dscd.msk.f32 $0xffff, v5, v1;
	vm8 =	vmmov vm4;
	vm4 =	vmmov vm12;
	(erf) = vrcp.f32 v10;
	v18, _, _ =	vpop (xrf2)  }
0x54: {  	vm12 =	vmmov vm5;
	vm5 =	vmmov vm14;
	(xrf2) =	vadd.scan.msk.f32 $0xffff, v11;
	v11 =	vnsel vm3, $0x0, v1;
	v10 =	vpop (erf);
	s30 =	smax.f32 s16, $1.000000000e-30  }
0x55: {  	(v2sf) =	vpush v13, $0x1;
	s31 =	spop (v2sf);
	(erf) = vrcp.f32 v2;
	v13 =	vpop (erf);
	v12 =	vmov s30  }
0x56: {  	vm3 =	vmmov vm13;
	s16 =	simm.s32 $0x540;
	s15 =	simm.s32 $0x700;
	s17 =	ssub.f32 s14, s31;
	v16 =	vmul.f32 v10, v11;
	(erf) = vrcp.f32 v12;
	v17, v2, _ =	vpop (xrf1);
	(xrf1) =	vsort.dscd.msk.f32 $0xffff, v4, v1  }
.LBB2_2:
0x57: {  	p0 =	sne.s32 s15, $0xDE40;
	v19 =	vbroadcast v17, $0x1;
	vm14 =	vmmov vm1  }
0x58: {  	s18 =	sshra.s32 s16, $0x2;
	v11 =	vpop (erf);
	vm1 =	vmmov vm10;
	vm10 =	vmmov vm6;
	vm6 =	vmmov vm9;
	s16 =	smov.u32 s15;
	s15 =	sadd.s32 $0x1C0, s15  }
0x59: {  	v15 =	vnsel vm7, $0x0, v1;
	vm7 =	vmmov vm0;
	v12 =	vld [tilespmem:s18+$0x0];
	(xrf2) =	vadd.scan.msk.f32 $0xffff, v2;
	v2, v14, _ =	vpop (xrf1)  }
0x5a: {  	v11 =	vmul.f32 v11, v15;
	v17 =	vld [tilespmem:s18+$0x10];
	vm0 =	vlt.f32 v8, v19;
	v2 =	vbroadcast v2, $0x3;
	v8, v10, _ =	vpop (xrf1)  }
0x5b: {  	s17 =	smax.f32 s17, $1.000000000e-30;
	v19 =	vnsel vm10, $0x0, v1;
	v15 =	vld [tilespmem:s18+$0x20];
	v8 =	vbroadcast v8, $0x0;
	(v2sf) =	vpush v18, $0x2;
	v18, _, _ =	vpop (xrf2)  }
0x5c: {  	v21 =	vnsel vm11, $0x0, v1;
	v22 =	vnsel vm12, $0x0, v1;
	v23 =	vmov s17;
	v20 =	vld [tilespmem:s18+$0x30];
	v24 =	vpop (erf)  }
0x5d: {  	v9 =	vadd.f32 v16, v9;
	v25 =	vld [tilespmem:s18+$0x40];
	(xrf2) =	vadd.scan.msk.f32 $0xffff, v10;
	v10, v26, _ =	vpop (xrf1);
	(v2sf) =	vpush v18, $0x3;
	(erf) = vrcp.f32 v23  }
0x5e: {  	vm13 =	vlt.f32 v7, v8;
	v16 =	vld [tilespmem:s18+$0x50];
	v7 =	vmul.f32 v12, v1;
	v10 =	vbroadcast v10, $0x5;
	v12 =	vpop (erf)  }
0x5f: {  	v9 =	vadd.f32 v11, v9;
	v8 =	vmul.f32 v17, v1;
	v17 =	vld [tilespmem:s18+$0x60];
	v18, _, _ =	vpop (xrf2);
	v11 =	vmul.f32 v12, v21  }
0x60: {  	v12 =	vmul.f32 v15, v1;
	(xrf2) =	vadd.scan.msk.f32 $0xffff, v26;
	s17 =	spop (v2sf);
	(v2sf) =	vpush v18, $0x6;
	v15 =	vnsel vm14, $0x0, v1;
	v18 =	vpop (erf)  }
0x61: {  	v20 =	vmul.f32 v20, v1;
	v21, v23, _ =	vpop (xrf1);
	s17 =	ssub.f32 s14, s17;
	s18 =	spop (v2sf);
	v9 =	vadd.f32 v11, v9;
	v11 =	vmul.f32 v18, v19  }
0x62: {  	v26 =	vnsel vm8, $0x0, v1;
	v18 =	vmul.f32 v25, v1;
	(xrf1) =	vsort.dscd.msk.f32 $0xffff, v8, v1;
	v19 =	vbroadcast v21, $0x2;
	v21, v25, _ =	vpop (xrf1);
	s18 =	ssub.f32 s14, s18  }
0x63: {  	v28 =	vmul.f32 v24, v26;
	v16 =	vmul.f32 v16, v1;
	v27, _, _ =	vpop (xrf2);
	(xrf2) =	vadd.scan.msk.f32 $0xffff, v25;
	s17 =	smax.f32 s17, $1.000000000e-30;
	s19 =	spop (v2sf);
	v9 =	vadd.f32 v11, v9  }
0x64: {  	v13 =	vmul.f32 v13, v22;
	v17 =	vmul.f32 v17, v1;
	v24, v25, _ =	vpop (xrf1);
	v26 =	vmov s17;
	s17 =	smax.f32 s18, $1.000000000e-30;
	s18 =	spop (v2sf)  }
0x65: {  	(xrf1) =	vsort.dscd.msk.f32 $0xffff, v20, v1;
	s18 =	ssub.f32 s14, s18;
	v22 =	vmov s17;
	(erf) = vrcp.f32 v26;
	v9 =	vadd.f32 v28, v9  }
0x66: {  	vm8 =	vlt.f32 v6, v19;
	v26 =	vbroadcast v21, $0x4;
	(xrf1) =	vsort.dscd.msk.f32 $0xffff, v7, v1;
	(erf) = vrcp.f32 v22;
	v11 =	vpop (erf)  }
0x67: {  	v19 =	vbroadcast v24, $0x6;
	v21, _, _ =	vpop (xrf2);
	(xrf2) =	vadd.scan.msk.f32 $0xffff, v23;
	s17 =	smax.f32 s18, $1.000000000e-30;
	v9 =	vadd.f32 v13, v9;
	v11 =	vmul.f32 v11, v15  }
0x68: {  	vm14 =	vlt.f32 v3, v10;
	v6 =	vmovc v12;
	vm12 =	vlt.f32 v5, v26;
	v5 =	vmovc v18;
	v10 =	vmov s17;
	s17 =	ssub.f32 s14, s19  }
0x69: {  	vm10 =	vlt.f32 v4, v19;
	(xrf1) =	vsort.dscd.msk.f32 $0xffff, v16, v1;
	(erf) = vrcp.f32 v10;
	v9 =	vadd.f32 v11, v9  }
0x6a: {  	s18 =	spop (v2sf)  }
0x6b: {  	vm9 =	vlt.f32 v0, v2;
	v0 =	vmov v20;
	v3 =	vmov v16;
	v2, _, _ =	vpop (xrf2);
	s18 =	ssub.f32 s14, s18  }
0x6c: {  	vm11 =	vmmov vm2;
	vm2 =	vmmov vm8;
	v4 =	vmovc v17;
	s17 =	smax.f32 s17, $1.000000000e-30;
	(v2sf) =	vpush v21, $0x0;
	(xrf2) =	vadd.scan.msk.f32 $0xffff, v14  }
0x6d: {  	vm8 =	vmmov vm4;
	(v2sf) =	vpush v2, $0x5;
	v2 =	vmov s17;
	s17 =	spop (v2sf);
	s18 =	smax.f32 s18, $1.000000000e-30  }
.Ltmp0:
0x6e: {  	(xrf1) =	vsort.dscd.msk.f32 $0xffff, v6, v1;
	v10, _, _ =	vpop (xrf2);
	s17 =	ssub.f32 s14, s17;
	(erf) = vrcp.f32 v2;
	(pc) =	sbr.rel @p0 .LBB2_2-.Ltmp0, $4  }
0x6f: {  	vm4 =	vmmov vm12;
	(xrf1) =	vsort.dscd.msk.f32 $0xffff, v5, v1;
	(v2sf) =	vpush v10, $0x4;
	v11 =	vmov s18;
	v10 =	vpop (erf)  }
0x70: {  	vm12 =	vmmov vm5;
	(v2sf) =	vpush v27, $0x1;
	(xrf2) =	vadd.scan.msk.f32 $0xffff, v25;
	s17 =	smax.f32 s17, $1.000000000e-30;
	(erf) = vrcp.f32 v11;
	v13 =	vpop (erf);
	s18 =	spop (v2sf)  }
0x71: {  	v11 =	vnsel vm3, $0x0, v1;
	vm3 =	vmmov vm13;
	v17, v2, _ =	vpop (xrf1);
	(xrf1) =	vsort.dscd.msk.f32 $0xffff, v4, v1;
	v12 =	vmov s17;
	s17 =	ssub.f32 s14, s18  }
0x72: {  	vm5 =	vmmov vm14;
	v16 =	vmul.f32 v10, v11;
	v18, _, _ =	vpop (xrf2);
	(erf) = vrcp.f32 v12  }
0x73: {  	s15 =	sshra.s32 s16, $0x2  }
0x74: {  	v10 =	vld [tilespmem:s15+$0x10]  }
0x75: {  	v11 =	vld [tilespmem:s15+$0x30];
	_ =	sdelay $0x1  }
0x76: {  	v12 =	vld [tilespmem:s15+$0x0]  }
0x77: {  	v19, v20, _ =	vpop (xrf1);
	v21 =	vld [tilespmem:s15+$0x50]  }
0x78: {  	(xrf2) =	vadd.scan.msk.f32 $0xffff, v2;
	v22, v2, _ =	vpop (xrf1);
	v23 =	vld [tilespmem:s15+$0x20]  }
0x79: {  	(xrf2) =	vadd.scan.msk.f32 $0xffff, v2;
	v15 =	vmul.f32 v10, v1;
	v2 =	vmul.f32 v11, v1;
	v27, v11, _ =	vpop (xrf1)  }
0x7a: {  	v25 =	vpop (erf);
	s28 =	smax.f32 s17, $1.000000000e-30;
	v24 =	vld [tilespmem:s15+$0x40];
	(xrf2) =	vadd.scan.msk.f32 $0xffff, v11  }
0x7b: {  	v26, _, _ =	vpop (xrf2);
	v14 =	vmul.f32 v12, v1;
	v10 =	vmov s28;
	(xrf1) =	vsort.dscd.msk.f32 $0xffff, v15, v1  }
0x7c: {  	(v2sf) =	vpush v18, $0x2;
	(erf) = vrcp.f32 v10;
	v10 =	vmul.f32 v21, v1;
	v21 =	vpop (erf);
	(xrf1) =	vsort.dscd.msk.f32 $0xffff, v2, v1  }
0x7d: {  	v9 =	vadd.f32 v16, v9;
	v12 =	vmul.f32 v23, v1;
	v23 =	vnsel vm7, $0x0, v1;
	v16, v18, _ =	vpop (xrf1);
	(xrf1) =	vsort.dscd.msk.f32 $0xffff, v14, v1  }
0x7e: {  	v38 =	vnsel vm11, $0x0, v1;
	v23 =	vmul.f32 v25, v23;
	v39, v40, _ =	vpop (xrf1);
	(xrf1) =	vsort.dscd.msk.f32 $0xffff, v10, v1  }
0x7f: {  	vm6 =	vmmov vm6;
	v17 =	vbroadcast v17, $0x1;
	v11 =	vmul.f32 v24, v1;
	v28 =	vpop (erf);
	(xrf2) =	vadd.scan.msk.f32 $0xffff, v40  }
0x80: {  	(v2sf) =	vpush v26, $0x3;
	v9 =	vadd.f32 v23, v9;
	v24 =	vmul.f32 v28, v38;
	(xrf1) =	vsort.dscd.msk.f32 $0xffff, v12, v1  }
0x81: {  	v41 =	vnsel vm6, $0x0, v1;
	v22 =	vbroadcast v22, $0x0;
	v29 =	vpop (erf);
	(xrf1) =	vsort.dscd.msk.f32 $0xffff, v11, v1  }
0x82: {  	s29 =	spop (v2sf);
	v43 =	vmul.f32 v29, v41;
	v9 =	vadd.f32 v24, v9  }
0x83: {  	vm1 =	vmmov vm1;
	v42 =	vld [tilespmem:s15+$0x60];
	vm7 =	vlt.f32 v7, v22;
	v7 =	vnsel vm8, $0x0, v1;
	s15 =	ssub.f32 s14, s29;
	v23, _, _ =	vpop (xrf2)  }
0x84: {  	vm11 =	vlt.f32 v8, v17;
	v21 =	vmul.f32 v21, v7;
	v44, _, _ =	vpop (xrf2);
	v9 =	vadd.f32 v43, v9  }
0x85: {  	s30 =	spop (v2sf);
	v16 =	vbroadcast v16, $0x2;
	s15 =	smax.f32 s15, $1.000000000e-30;
	v8, v17, _ =	vpop (xrf1);
	(v2sf) =	vpush v23, $0x6;
	v23 =	vnsel vm12, $0x0, v1  }
0x86: {  	s16 =	ssub.f32 s14, s30;
	s31 =	spop (v2sf);
	(xrf2) =	vadd.scan.msk.f32 $0xffff, v18;
	v45 =	vmov s15;
	v18, _, _ =	vpop (xrf2);
	v9 =	vadd.f32 v21, v9;
	v21 =	vnsel vm1, $0x0, v1  }
0x87: {  	s19 =	spop (v2sf);
	v13 =	vmul.f32 v13, v23;
	(erf) = vrcp.f32 v45;
	v22 =	vpop (erf)  }
0x88: {  	v7 =	vmul.f32 v42, v1;
	s18 =	smax.f32 s16, $1.000000000e-30;
	(xrf2) =	vadd.scan.msk.f32 $0xffff, v20;
	s16 =	ssub.f32 s14, s19;
	v20, _, _ =	vpop (xrf2)  }
0x89: {  	v25 =	vbroadcast v39, $0x4;
	(xrf2) =	vadd.scan.msk.f32 $0xffff, v17;
	v9 =	vadd.f32 v13, v9;
	v13 =	vmul.f32 v22, v21;
	v21, _, _ =	vpop (xrf2)  }
0x8a: {  	vm6 =	vlt.f32 v6, v16;
	v46 =	vmov s18;
	s20 =	smax.f32 s16, $1.000000000e-30;
	v17, v23, _ =	vpop (xrf1)  }
0x8b: {  	vm8 =	vlt.f32 v5, v25;
	(erf) = vrcp.f32 v46;
	v5 =	vmov s20;
	(xrf1) =	vsort.dscd.msk.f32 $0xffff, v7, v1;
	v6, v16, _ =	vpop (xrf1)  }
0x8c: {  	(erf) = vrcp.f32 v5;
	(xrf2) =	vadd.scan.msk.f32 $0xffff, v23;
	v23, v47, _ =	vpop (xrf1)  }
0x8d: {  	(v2sf) =	vpush v18, $0x0;
	(xrf2) =	vadd.scan.msk.f32 $0xffff, v47;
	v18, v22, _ =	vpop (xrf1)  }
0x8e: {  	v49 =	vbroadcast v27, $0x5;
	s21 =	ssub.f32 s14, s31;
	s22 =	spop (v2sf);
	(v2sf) =	vpush v20, $0x5;
	v20, v48, _ =	vpop (xrf1);
	(xrf2) =	vadd.scan.msk.f32 $0xffff, v22  }
0x8f: {  	v19 =	vbroadcast v19, $0x3;
	v8 =	vbroadcast v8, $0x6;
	s16 =	ssub.f32 s14, s22;
	s23 =	spop (v2sf);
	(v2sf) =	vpush v21, $0x4;
	v5, v21, _ =	vpop (xrf1)  }
0x90: {  	vm0 =	vmmov vm0;
	vm15 =	vlt.f32 v3, v49;
	s15 =	smax.f32 s21, $1.000000000e-30;
	v3 =	vadd.f32 v13, v9;
	s17 =	ssub.f32 s14, s23;
	v9 =	vpop (erf);
	(xrf2) =	vadd.scan.msk.f32 $0xffff, v21  }
0x91: {  	vm14 =	vlt.f32 v0, v19;
	v0 =	vmov s15;
	s24 =	smax.f32 s16, $1.000000000e-30;
	(v2sf) =	vpush v44, $0x1;
	v21, _, _ =	vpop (xrf2)  }
0x92: {  	vm13 =	vlt.f32 v4, v8;
	(erf) = vrcp.f32 v0;
	v0 =	vmov s24;
	s25 =	smax.f32 s17, $1.000000000e-30;
	v4, _, _ =	vpop (xrf2)  }
0x93: {  	(erf) = vrcp.f32 v0;
	v0 =	vmov s25;
	(v2sf) =	vpush v21, $0x2;
	(xrf2) =	vadd.scan.msk.f32 $0xffff, v48;
	v8, _, _ =	vpop (xrf2)  }
0x94: {  	vm12 =	vmmov vm2;
	(v2sf) =	vpush v4, $0x3;
	v4 =	vnsel vm3, $0x0, v1;
	(xrf2) =	vadd.scan.msk.f32 $0xffff, v16;
	v16 =	vpop (erf)  }
0x95: {  	v4 =	vmul.f32 v9, v4;
	(v2sf) =	vpush v8, $0x6;
	v8 =	vbroadcast v17, $0x1;
	v9 =	vpop (erf)  }
0x96: {  	vm6 =	vmmov vm6;
	vm2 =	vmmov vm8;
	(erf) = vrcp.f32 v0;
	v0, _, _ =	vpop (xrf2)  }
0x97: {  	vm8 =	vmmov vm7;
	vm7 =	vmmov vm14;
	vm6 =	vmmov vm6;
	v13, _, _ =	vpop (xrf2)  }
0x98: {  	vm1 =	vmmov vm10;
	v17, _, _ =	vpop (xrf2);
	(v2sf) =	vpush v13, $0x0;
	v13 =	vnsel vm0, $0x0, v1  }
0x99: {  	vm10 =	vmmov vm9;
	vm9 =	vmmov vm4;
	s26 =	spop (v2sf);
	vm0 =	vlt.f32 v15, v8;
	v8, v15, _ =	vpop (xrf1)  }
0x9a: {  	vm4 =	vmmov vm5;
	vm7 =	vmmov vm7;
	s15 =	ssub.f32 s14, s26;
	(v2sf) =	vpush v17, $0x5;
	v17, _, _ =	vpop (xrf2)  }
0x9b: {  	vm2 =	vmmov vm2;
	vm5 =	vmmov vm1;
	v9 =	vmul.f32 v9, v13;
	v13 =	vpop (erf)  }
0x9c: {  	vm1 =	vmmov vm13;
	s15 =	smax.f32 s15, $1.000000000e-30;
	v3 =	vadd.f32 v4, v3;
	v4 =	vnsel vm12, $0x0, v1;
	(xrf2) =	vadd.scan.msk.f32 $0xffff, v15;
	v15 =	vpop (erf)  }
0x9d: {  	s28 =	spop (v2sf);
	(v2sf) =	vpush v17, $0x4;
	v17 =	vmov s15;
	v4 =	vmul.f32 v15, v4  }
0x9e: {  	vm13 =	vmmov vm10;
	s29 =	spop (v2sf);
	(v2sf) =	vpush v0, $0x1;
	v0 =	vbroadcast v23, $0x0  }
0x9f: {  	v19 =	vnsel vm4, $0x0, v1;
	v5 =	vbroadcast v5, $0x4;
	s30 =	ssub.f32 s14, s28;
	s31 =	spop (v2sf);
	v3 =	vadd.f32 v9, v3;
	v9 =	vpop (erf)  }
0xa0: {  	s19 =	simm.s32 $0x0;
	s17 =	ssub.f32 s14, s29;
	s18 =	spop (v2sf);
	(erf) = vrcp.f32 v17;
	v15 =	vnsel vm13, $0x0, v1;
	v17, _, _ =	vpop (xrf2);
	vm4 =	vlt.f32 v14, v0  }
0xa1: {  	s19 =	sand.u32 $0x3FF0, s19;
	s15 =	smax.f32 s30, $1.000000000e-30;
	s18 =	ssub.f32 s14, s18;
	v0 =	vld [tilespmem:$0x11010];
	v9 =	vmul.f32 v9, v15;
	v3 =	vadd.f32 v4, v3;
	(v2sf) =	vpush v17, $0x2;
	v4, _, _ =	vpop (xrf2)  }
0xa2: {  	s17 =	smax.f32 s17, $1.000000000e-30;
	v14 =	vmov s15;
	s15 =	simm.s32 $0x3860;
	v15 =	vbroadcast v20, $0x2;
	(v2sf) =	vpush v4, $0x3;
	v4 =	vld [tilespmem:s19+$0x3800]  }
0xa3: {  	s16 =	ssub.f32 s14, s31;
	v17 =	vmov s17;
	(erf) = vrcp.f32 v14;
	v14 =	vld [tilespmem:s15+$0xFFFFFFB0];
	v3 =	vadd.f32 v9, v3;
	s19 =	smax.f32 s18, $1.000000000e-30  }
0xa4: {  	v20 =	vnsel vm9, $0x0, v1;
	(erf) = vrcp.f32 v17;
	v17 =	vmov s19  }
0xa5: {  	vm10 =	vmmov vm11;
	s16 =	smax.f32 s16, $1.000000000e-30;
	s20 =	spop (v2sf);
	v9 =	vmul.f32 v13, v20;
	(erf) = vrcp.f32 v17  }
0xa6: {  	s21 =	spop (v2sf);
	s18 =	ssub.f32 s14, s20;
	v17 =	vnsel vm5, $0x0, v1;
	vm5 =	vlt.f32 v12, v15;
	v12 =	vld [tilespmem:s15+$0xFFFFFFC0];
	v15 =	vmov s16  }
0xa7: {  	v16 =	vmul.f32 v16, v19;
	s17 =	ssub.f32 s14, s21;
	v9 =	vadd.f32 v9, v3;
	v3, _, _ =	vpop (xrf2);
	v4 =	vmul.f32 v4, v0  }
0xa8: {  	vm9 =	vlt.f32 v11, v5;
	s22 =	spop (v2sf);
	s23 =	smax.f32 s18, $1.000000000e-30;
	(v2sf) =	vpush v3, $0x6;
	v3 =	vmul.f32 v14, v0  }
0xa9: {  	v13 =	vbroadcast v18, $0x5;
	s24 =	ssub.f32 s14, s22;
	s26 =	smax.f32 s17, $1.000000000e-30;
	(erf) = vrcp.f32 v15;
	v14 =	vmov s23;
	v15 =	vpop (erf);
	(xrf1) =	vsort.dscd.msk.f32 $0xffff, v4, v0  }
0xaa: {  	v5 =	vmov s26;
	s25 =	spop (v2sf);
	(erf) = vrcp.f32 v14;
	v14 =	vmul.f32 v15, v17;
	(xrf1) =	vsort.dscd.msk.f32 $0xffff, v3, v0  }
0xab: {  	v9 =	vadd.f32 v16, v9;
	s28 =	smax.f32 s24, $1.000000000e-30;
	s29 =	spop (v2sf);
	(erf) = vrcp.f32 v5;
	v5 =	vmul.f32 v12, v0;
	v12 =	vld [tilespmem:s15+$0xFFFFFFD0]  }
0xac: {  	vm11 =	vlt.f32 v10, v13;
	v10 =	vnsel vm8, $0x0, v1;
	s30 =	ssub.f32 s14, s25;
	v11 =	vpop (erf);
	v15 =	vmov s28;
	s31 =	spop (v2sf)  }
0xad: {  	v13 =	vld [tilespmem:s15+$0xFFFFFFE0];
	s20 =	ssub.f32 s14, s29;
	v16 =	vpop (erf);
	(erf) = vrcp.f32 v15;
	v10 =	vmul.f32 v11, v10;
	v9 =	vadd.f32 v14, v9;
	s21 =	spop (v2sf)  }
0xae: {  	v6 =	vbroadcast v6, $0x3;
	v8 =	vbroadcast v8, $0x6;
	v14 =	vnsel vm10, $0x0, v1;
	s16 =	smax.f32 s30, $1.000000000e-30;
	s18 =	ssub.f32 s14, s21;
	v11 =	vpop (erf)  }
0xaf: {  	s22 =	smax.f32 s20, $1.000000000e-30;
	s24 =	ssub.f32 s14, s31;
	v15 =	vadd.f32 v10, v9;
	v11 =	vmul.f32 v11, v14;
	v14 =	vmov s16  }
0xb0: {  	v9 =	vmov s22;
	s23 =	smax.f32 s18, $1.000000000e-30;
	s25 =	spop (v2sf);
	v10 =	vmul.f32 v12, v0;
	(erf) = vrcp.f32 v14;
	v14 =	vld [tilespmem:s15+$0xFFFFFFF0]  }
0xb1: {  	(xrf2) =	vadd.scan.msk.f32 $0xffff, v0;
	s16 =	smax.f32 s24, $1.000000000e-30;
	s26 =	ssub.f32 s14, s25;
	(erf) = vrcp.f32 v9;
	v9 =	vmov s23;
	v15 =	vadd.f32 v11, v15  }
0xb2: {  	(xrf1) =	vsort.dscd.msk.f32 $0xffff, v5, v0;
	v12 =	vpop (erf);
	v11 =	vmov s16;
	s28 =	spop (v2sf);
	(erf) = vrcp.f32 v9;
	v9 =	vmul.f32 v13, v0  }
0xb3: {  	v17 =	vpop (erf);
	v13 =	vnsel vm6, $0x0, v1;
	s17 =	smax.f32 s26, $1.000000000e-30;
	vm6 =	vlt.f32 v7, v8;
	v7 =	vnsel vm7, $0x0, v1;
	s18 =	ssub.f32 s14, s28  }
0xb4: {  	s29 =	simm.s32 $0x70;
	(xrf1) =	vsort.dscd.msk.f32 $0xffff, v10, v0;
	v13 =	vmul.f32 v17, v13;
	(erf) = vrcp.f32 v11;
	v11 =	vmov s17  }
0xb5: {  	vm1 =	vmmov vm1;
	s19 =	sand.u32 $0x3FF0, s29;
	v19 =	vpop (erf);
	(erf) = vrcp.f32 v11;
	s31 =	smax.f32 s18, $1.000000000e-30;
	v11 =	vmul.f32 v14, v0;
	v14 =	vld [tilespmem:s15+$0x0]  }
0xb6: {  	v18 =	vld [tilespmem:s19+$0x3800];
	v8 =	vpop (erf);
	v13 =	vadd.f32 v13, v15;
	v15 =	vmul.f32 v19, v7;
	v20 =	vmov s31  }
0xb7: {  	vm3 =	vmmov vm15;
	s30 =	simm.s32 $0x38D0;
	(xrf1) =	vsort.dscd.msk.f32 $0xffff, v9, v0;
	(erf) = vrcp.f32 v20;
	v20 =	vnsel vm2, $0x0, v1;
	v19, v7, _ =	vpop (xrf1)  }
0xb8: {  	vm3 =	vmmov vm3;
	v17 =	vld [tilespmem:s30+$0xFFFFFFB0];
	s17 =	spop (v2sf);
	v15 =	vadd.f32 v15, v13;
	v20 =	vmul.f32 v12, v20;
	v21, v22, _ =	vpop (xrf1);
	(xrf2) =	vadd.scan.msk.f32 $0xffff, v7  }
0xb9: {  	s18 =	ssub.f32 s14, s17;
	vm2 =	vlt.f32 v2, v6;
	v2 =	vnsel vm1, $0x0, v1;
	(xrf2) =	vadd.scan.msk.f32 $0xffff, v22;
	v22 =	vnsel vm3, $0x0, v1  }
0xba: {  	v13 =	vmul.f32 v14, v0;
	v15 =	vadd.f32 v20, v15;
	v14 =	vmul.f32 v16, v22  }
0xbb: {  	v23, _, _ =	vpop (xrf2);
	(xrf1) =	vsort.dscd.msk.f32 $0xffff, v11, v0;
	v2 =	vmul.f32 v8, v2;
	v7 =	vmul.f32 v18, v0;
	s14 =	smax.f32 s18, $1.000000000e-30  }
0xbc: {  	v18 =	vpop (erf);
	v20 =	vmov s14;
	vm3 =	vmmov vm4;
	v14 =	vadd.f32 v14, v15  }
0xbd: {  	v12 =	vmul.f32 v17, v0;
	v17 =	vpop (erf);
	v15 =	vnsel vm3, $0x0, v1;
	vm3 =	vmmov vm0  }
0xbe: {  	(xrf1) =	vsort.dscd.msk.f32 $0xffff, v7, v0;
	v16 =	vpop (erf);
	v2 =	vadd.f32 v2, v14;
	v14 =	vmul.f32 v18, v15;
	v18 =	vnsel vm3, $0x0, v1  }
0xbf: {  	(xrf1) =	vsort.dscd.msk.f32 $0xffff, v12, v0;
	v8 =	vpop (erf)  }
0xc0: {  	(erf) = vrcp.f32 v20;
	v6, v20, _ =	vpop (xrf1);
	(xrf1) =	vsort.dscd.msk.f32 $0xffff, v13, v0  }
0xc1: {  	vm4 =	vmmov vm5;
	v22 =	vld [tilespmem:s30+$0xFFFFFFC0];
	(xrf2) =	vadd.scan.msk.f32 $0xffff, v20;
	v20 =	vpop (erf)  }
0xc2: {  	vm3 =	vmmov vm4;
	v16 =	vmul.f32 v16, v18;
	v2 =	vadd.f32 v14, v2;
	v14, v18, _ =	vpop (xrf1)  }
0xc3: {  	(v2sf) =	vpush v23, $0xF;
	vm1 =	vmmov vm9;
	v50 =	vnsel vm3, $0x0, v1;
	(xrf2) =	vadd.scan.msk.f32 $0xffff, v18;
	v18, _, _ =	vpop (xrf2)  }
0xc4: {  	vm2 =	vmmov vm2;
	v20 =	vmul.f32 v20, v50;
	(v2sf) =	vpush v18, $0x0;
	v18, _, _ =	vpop (xrf2)  }
0xc5: {  	v52 =	vld [tilespmem:s30+$0xFFFFFFD0];
	vm2 =	vmmov vm2;
	v2 =	vadd.f32 v16, v2;
	(v2sf) =	vpush v18, $0x1  }
0xc6: {  	vm1 =	vmmov vm1;
	v15 =	vpop (erf);
	v16 =	vmul.f32 v22, v0;
	v22 =	vnsel vm2, $0x0, v1  }
0xc7: {  	v55 =	vld [tilespmem:s30+$0xFFFFFFE0];
	vm0 =	vmmov vm11;
	v54, v53, _ =	vpop (xrf1);
	v15 =	vmul.f32 v15, v22;
	v2 =	vadd.f32 v20, v2  }
0xc8: {  	v57 =	vld [tilespmem:s30+$0xFFFFFFF0];
	v51 =	vbroadcast v23, $0xF;
	vm0 =	vmmov vm0;
	v22 =	vnsel vm1, $0x0, v1;
	(xrf2) =	vadd.scan.msk.f32 $0xffff, v53  }
0xc9: {  	vm3 =	vmmov vm6;
	(xrf1) =	vsort.dscd.msk.f32 $0xffff, v16, v0;
	v8 =	vmul.f32 v8, v22;
	v18, v20, _ =	vpop (xrf1);
	v2 =	vadd.f32 v15, v2  }
0xca: {  	v56 =	vmul.f32 v52, v0;
	vm1 =	vmmov vm3;
	v22 =	vnsel vm0, $0x0, v1;
	(xrf2) =	vadd.scan.msk.f32 $0xffff, v20  }
0xcb: {  	v23 =	vpop (erf);
	v1 =	vnsel vm1, $0x0, v1;
	v17 =	vmul.f32 v17, v22;
	v2 =	vadd.f32 v8, v2  }
0xcc: {  	s19 =	simm.s32 $0xE0;
	s20 =	simm.s32 $0x3940;
	v22 =	vmul.f32 v55, v0;
	v1 =	vmul.f32 v23, v1;
	v58, _, _ =	vpop (xrf2)  }
0xcd: {  	s14 =	sand.u32 $0x3FF0, s19;
	v23 =	vld [tilespmem:s20+$0xFFFFFFB0];
	v15, v20, _ =	vpop (xrf1);
	(xrf1) =	vsort.dscd.msk.f32 $0xffff, v56, v0;
	(v2sf) =	vpush v58, $0x2;
	v2 =	vadd.f32 v17, v2;
	v17 =	vmul.f32 v57, v0  }
0xce: {  	v60 =	vld [tilespmem:s14+$0x3800];
	v59, v30, _ =	vpop (xrf1);
	(xrf1) =	vsort.dscd.msk.f32 $0xffff, v22, v0  }
0xcf: {  	v31, v8, _ =	vpop (xrf1);
	(xrf1) =	vsort.dscd.msk.f32 $0xffff, v17, v0  }
0xd0: {  	(erf) = vrcp.f32 v51;
	(xrf2) =	vadd.scan.msk.f32 $0xffff, v8;
	v1 =	vadd.f32 v1, v2;
	v2 =	vbroadcast v21, $0x1  }
0xd1: {  	v8 =	vbroadcast v19, $0x0  }
0xd2: {  	s14 =	spop (v2sf);
	v19 =	vld [tilespmem:s30+$0x0];
	v21 =	vmul.f32 v23, v0;
	v61, _, _ =	vpop (xrf2);
	vm1 =	vlt.f32 v3, v2;
	v2 =	vbroadcast v6, $0x2  }
0xd3: {  	(xrf2) =	vadd.scan.msk.f32 $0xffff, v20;
	v20 =	vmul.f32 v60, v0;
	(v2sf) =	vpush v61, $0x3;
	vm0 =	vlt.f32 v4, v8;
	v4, _, _ =	vpop (xrf2);
	s21 =	spop (v2sf)  }
0xd4: {  	(v2sf) =	vpush v4, $0x4;
	v4 =	vld [tilespmem:s20+$0xFFFFFFC0];
	v6, _, _ =	vpop (xrf2);
	vm3 =	vlt.f32 v5, v2;
	v2 =	vbroadcast v54, $0x4;
	s22 =	spop (v2sf)  }
0xd5: {  	v3 =	vbroadcast v14, $0x3;
	(xrf1) =	vsort.dscd.msk.f32 $0xffff, v20, v0;
	v5 =	vbroadcast v18, $0x5;
	(v2sf) =	vpush v6, $0x5;
	s17 =	ssub.f32 s14, s22  }
0xd6: {  	(xrf1) =	vsort.dscd.msk.f32 $0xffff, v21, v0;
	v6 =	vbroadcast v15, $0x0;
	vm5 =	vlt.f32 v9, v2;
	v2 =	vbroadcast v31, $0x6  }
0xd7: {  	(xrf2) =	vadd.scan.msk.f32 $0xffff, v30;
	vm10 =	vmmov vm1;
	vm2 =	vlt.f32 v10, v3;
	v23 =	vmul.f32 v19, v0;
	v10, v14, _ =	vpop (xrf1);
	s17 =	smax.f32 s17, $1.000000000e-30  }
0xd8: {  	(xrf2) =	vadd.scan.msk.f32 $0xffff, v14;
	vm1 =	vlt.f32 v13, v2;
	v2 =	vbroadcast v10, $0x2;
	v10 =	vmov s17  }
0xd9: {  	v63 =	vpop (erf);
	(xrf1) =	vsort.dscd.msk.f32 $0xffff, v23, v0;
	v4 =	vmul.f32 v4, v0;
	s16 =	ssub.f32 s14, s21  }
0xda: {  	vm4 =	vlt.f32 v11, v5;
	vm6 =	vlt.f32 v7, v6;
	v7 =	vld [tilespmem:s20+$0xFFFFFFD0];
	v5, _, _ =	vpop (xrf2)  }
0xdb: {  	v62 =	vmul.f32 $1.280000000e+02, v0;
	(xrf1) =	vsort.dscd.msk.f32 $0xffff, v4, v0;
	s16 =	smax.f32 s16, $1.000000000e-30;
	(v2sf) =	vpush v5, $0x6;
	v5, v6, _ =	vpop (xrf1)  }
0xdc: {  	v15 =	vbroadcast v59, $0x1;
	v9 =	vld [tilespmem:s20+$0xFFFFFFE0];
	v11 =	vmov s16;
	(xrf2) =	vadd.scan.msk.f32 $0xffff, v6;
	s23 =	spop (v2sf);
	(erf) = vrcp.f32 v10;
	v6, v10, _ =	vpop (xrf1)  }
0xdd: {  	vm0 =	vmmov vm0;
	v3 =	vnsel vm2, $0x0, v0;
	s16 =	ssub.f32 s14, s23;
	(erf) = vrcp.f32 v11;
	v13, v14, _ =	vpop (xrf1)  }
0xde: {  	vm2 =	vlt.f32 v12, v15;
	v12 =	vbroadcast v6, $0x4;
	v11 =	vbroadcast v13, $0x5  }
0xdf: {  	vm9 =	vmmov vm5;
	v5 =	vbroadcast v5, $0x3;
	v7 =	vmul.f32 v7, v0;
	s16 =	smax.f32 s16, $1.000000000e-30;
	v6, _, _ =	vpop (xrf2)  }
0xe0: {  	(v2sf) =	vpush v6, $0x0;
	vm5 =	vlt.f32 v22, v12;
	v12 =	vmov s16  }
0xe1: {  	vm12 =	vmmov vm0;
	vm8 =	vmmov vm3;
	(xrf1) =	vsort.dscd.msk.f32 $0xffff, v7, v0;
	v6 =	vmul.f32 v9, v0;
	v9, _, _ =	vpop (xrf2)  }
0xe2: {  	vm0 =	vmmov vm6;
	vm3 =	vlt.f32 v16, v2;
	vm6 =	vlt.f32 v56, v5;
	v5 =	vld [tilespmem:s20+$0xFFFFFFF0];
	v13, _, _ =	vpop (xrf2)  }
0xe3: {  	v2 =	vnsel vm6, $0x0, v0;
	s24 =	spop (v2sf);
	(v2sf) =	vpush v9, $0x1;
	(xrf2) =	vadd.scan.msk.f32 $0xffff, v10;
	vm6 =	vlt.f32 v17, v11;
	v9, v11, _ =	vpop (xrf1)  }
0xe4: {  	s17 =	ssub.f32 s14, s24;
	(erf) = vrcp.f32 v12;
	v15, v12, _ =	vpop (xrf1);
	(xrf1) =	vsort.dscd.msk.f32 $0xffff, v6, v0  }
0xe5: {  	s26 =	simm.s32 $0x150;
	v8 =	vmul.f32 v63, v62;
	vm7 =	vmmov vm4;
	s25 =	spop (v2sf);
	v16 =	vbroadcast v15, $0x1  }
0xe6: {  	s28 =	sand.u32 $0x3FF0, s26;
	vm2 =	vmmov vm2;
	s16 =	ssub.f32 s14, s25;
	s17 =	smax.f32 s17, $1.000000000e-30;
	(v2sf) =	vpush v13, $0x2;
	(xrf2) =	vadd.scan.msk.f32 $0xffff, v14;
	v9 =	vbroadcast v9, $0x0  }
0xe7: {  	vm4 =	vmmov vm1;
	v5 =	vmul.f32 v5, v0;
	s29 =	spop (v2sf);
	v13 =	vld [tilespmem:s28+$0x3800];
	v10 =	vmov s17;
	v15, v17, _ =	vpop (xrf1)  }
0xe8: {  	s16 =	smax.f32 s16, $1.000000000e-30;
	s30 =	ssub.f32 s14, s29;
	(erf) = vrcp.f32 v10;
	v18, _, _ =	vpop (xrf2);
	vm11 =	vlt.f32 v20, v9;
	v9 =	vbroadcast v15, $0x6  }
0xe9: {  	s15 =	simm.s32 $0x39B0;
	v19 =	vld [tilespmem:s20+$0x0];
	v10 =	vmov s16;
	(v2sf) =	vpush v18, $0x3;
	v15 =	vpop (erf);
	(xrf2) =	vadd.scan.msk.f32 $0xffff, v17;
	v17 =	vnsel vm10, $0x0, v0  }
0xea: {  	v14 =	vld [tilespmem:s15+$0xFFFFFFB0];
	s31 =	smax.f32 s30, $1.000000000e-30;
	(xrf1) =	vsort.dscd.msk.f32 $0xffff, v5, v0;
	(erf) = vrcp.f32 v10;
	vm1 =	vlt.f32 v21, v16;
	vm10 =	vlt.f32 v23, v9;
	v21, v16, _ =	vpop (xrf1)  }
0xeb: {  	s16 =	simm.s32 $0x1C0;
	v20 =	vld [tilespmem:s15+$0xFFFFFFC0];
	s17 =	spop (v2sf);
	(xrf2) =	vadd.scan.msk.f32 $0xffff, v11;
	v22 =	vpop (erf);
	v9 =	vnsel vm12, $0x0, v0;
	v18 =	vbroadcast v21, $0x2;
	v21 =	vmov s31  }
.LBB2_4:
0xec: {  	p0 =	sne.s32 s16, $0x3790;
	v10 =	vmul.f32 v13, v0;
	v23 =	vmul.f32 v22, v9;
	v22 =	vnsel vm8, $0x0, v0  }
0xed: {  	v11, _, _ =	vpop (xrf2);
	s18 =	ssub.f32 s14, s17;
	vm8 =	vmmov vm3;
	vm12 =	vmmov vm0;
	vm0 =	vmmov vm11;
	s17 =	smov.u32 s16;
	s16 =	sadd.s32 $0x70, s16  }
0xee: {  	v9 =	vmul.f32 v19, v0;
	(v2sf) =	vpush v11, $0x4;
	v19 =	vpop (erf);
	(erf) = vrcp.f32 v21  }
0xef: {  	vm3 =	vlt.f32 v4, v18;
	v11 =	vmul.f32 v14, v0;
	(xrf2) =	vadd.scan.msk.f32 $0xffff, v12;
	v12, v14, _ =	vpop (xrf1);
	s19 =	spop (v2sf);
	v8 =	vadd.f32 v23, v8;
	s18 =	smax.f32 s18, $1.000000000e-30  }
0xf0: {  	v15 =	vmul.f32 v15, v17;
	v17 =	vmul.f32 v19, v22;
	(xrf1) =	vsort.dscd.msk.f32 $0xffff, v10, v0;
	s19 =	ssub.f32 s14, s19;
	v13, _, _ =	vpop (xrf2);
	v18 =	vmov s18  }
0xf1: {  	v4 =	vmul.f32 v20, v0;
	(xrf1) =	vsort.dscd.msk.f32 $0xffff, v11, v0;
	(v2sf) =	vpush v13, $0x5;
	v13 =	vnsel vm9, $0x0, v0;
	v19 =	vpop (erf)  }
0xf2: {  	v23 =	vbroadcast v12, $0x3;
	v8 =	vadd.f32 v15, v8;
	v20 =	vld [tilespmem:s15+$0xFFFFFFD0];
	v21, v22, _ =	vpop (xrf1);
	(xrf1) =	vsort.dscd.msk.f32 $0xffff, v9, v0;
	s18 =	smax.f32 s19, $1.000000000e-30;
	(erf) = vrcp.f32 v18  }
0xf3: {  	v18 =	vmul.f32 v19, v3;
	v3 =	vmov v2;
	(xrf2) =	vadd.scan.msk.f32 $0xffff, v16;
	v15 =	vmov s18;
	s18 =	spop (v2sf);
	v16, _, _ =	vpop (xrf2)  }
0xf4: {  	vm9 =	vlt.f32 v7, v23;
	v7 =	vadd.f32 v17, v8;
	v8 =	vnsel vm7, $0x0, v0;
	v19 =	vld [tilespmem:s15+$0xFFFFFFE0];
	s18 =	ssub.f32 s14, s18;
	v12 =	vpop (erf)  }
0xf5: {  	v2 =	vnsel vm9, $0x0, v0;
	v17 =	vbroadcast v21, $0x4;
	(xrf1) =	vsort.dscd.msk.f32 $0xffff, v4, v0;
	s19 =	spop (v2sf);
	(v2sf) =	vpush v16, $0x6  }
0xf6: {  	vm9 =	vmmov vm5;
	v18 =	vadd.f32 v18, v7;
	v12 =	vmul.f32 v12, v13;
	v16, _, _ =	vpop (xrf2);
	s18 =	smax.f32 s18, $1.000000000e-30;
	s19 =	ssub.f32 s14, s19  }
0xf7: {  	vm7 =	vmmov vm6;
	v7 =	vmul.f32 v20, v0;
	v23 =	vmov s18;
	v20 =	vpop (erf)  }
0xf8: {  	v12 =	vadd.f32 v12, v18;
	v21 =	vld [tilespmem:s15+$0xFFFFFFF0];
	(v2sf) =	vpush v16, $0x0;
	(xrf2) =	vadd.scan.msk.f32 $0xffff, v14;
	v14, v16, _ =	vpop (xrf1);
	s18 =	smax.f32 s19, $1.000000000e-30;
	(erf) = vrcp.f32 v23  }
0xf9: {  	vm5 =	vlt.f32 v6, v17;
	(xrf1) =	vsort.dscd.msk.f32 $0xffff, v7, v0;
	v6 =	vmul.f32 v19, v0;
	v13, _, _ =	vpop (xrf2)  }
0xfa: {  	v8 =	vmul.f32 v20, v8;
	v19 =	vbroadcast v14, $0x5;
	v17 =	vmov s18;
	s18 =	spop (v2sf)  }
0xfb: {  	(xrf2) =	vadd.scan.msk.f32 $0xffff, v22;
	s18 =	ssub.f32 s14, s18;
	(erf) = vrcp.f32 v15;
	v15 =	vnsel vm4, $0x0, v0;
	v18 =	vpop (erf);
	vm4 =	vmmov vm10  }
0xfc: {  	vm6 =	vlt.f32 v5, v19;
	(xrf1) =	vsort.dscd.msk.f32 $0xffff, v6, v0;
	(v2sf) =	vpush v13, $0x1;
	v13 =	vmul.f32 v18, v15  }
0xfd: {  	v8 =	vadd.f32 v8, v12;
	v5 =	vmul.f32 v21, v0;
	v14, _, _ =	vpop (xrf2);
	s18 =	smax.f32 s18, $1.000000000e-30;
	(erf) = vrcp.f32 v17;
	s19 =	spop (v2sf)  }
0xfe: {  	v17, v21, _ =	vpop (xrf1);
	(v2sf) =	vpush v14, $0x2;
	(xrf2) =	vadd.scan.msk.f32 $0xffff, v16;
	v14 =	vmov s18;
	s18 =	ssub.f32 s14, s19  }
0xff: {  	s17 =	sand.u32 $0x3FF0, s17;
	v8 =	vadd.f32 v13, v8;
	v23 =	vbroadcast v17, $0x0;
	v16, v12, _ =	vpop (xrf1)  }
0x100: {  	v13 =	vld [tilespmem:s17+$0x3800];
	s17 =	smax.f32 s18, $1.000000000e-30  }
.Ltmp1:
0x101: {  	v22 =	vbroadcast v16, $0x1;
	v17, v18, _ =	vpop (xrf1);
	(erf) = vrcp.f32 v14;
	s18 =	spop (v2sf);
	(pc) =	sbr.rel @p0 .LBB2_4-.Ltmp1, $4  }
0x102: {  	vm11 =	vlt.f32 v10, v23;
	v19 =	vld [tilespmem:s15+$0x0];
	s15 =	sadd.s32 $0x70, s15;
	v10 =	vbroadcast v17, $0x6;
	(xrf2) =	vadd.scan.msk.f32 $0xffff, v18;
	v18 =	vmov s17;
	s17 =	ssub.f32 s14, s18;
	v15 =	vpop (erf)  }
0x103: {  	v17 =	vnsel vm2, $0x0, v0;
	vm2 =	vmmov vm1;
	v14 =	vld [tilespmem:s15+$0xFFFFFFB0];
	(xrf1) =	vsort.dscd.msk.f32 $0xffff, v5, v0;
	v20, _, _ =	vpop (xrf2);
	vm1 =	vlt.f32 v11, v22  }
0x104: {  	v11, v16, _ =	vpop (xrf1);
	vm10 =	vlt.f32 v9, v10;
	(v2sf) =	vpush v20, $0x3;
	s17 =	smax.f32 s17, $1.000000000e-30;
	(erf) = vrcp.f32 v18  }
0x105: {  	v9 =	vnsel vm12, $0x0, v0;
	v20 =	vld [tilespmem:s15+$0xFFFFFFC0];
	v18 =	vbroadcast v11, $0x2;
	(xrf2) =	vadd.scan.msk.f32 $0xffff, v21;
	v21 =	vmov s17;
	v22 =	vpop (erf);
	s17 =	spop (v2sf)  }
0x106: {  	_ = 	snop  }
0x107: {  	v23 =	vmul.f32 v13, v0  }
0x108: {  	(xrf2) =	vadd.scan.msk.f32 $0xffff, v12;
	v14 =	vmul.f32 v14, v0  }
0x109: {  	v13 =	vmul.f32 v19, v0;
	(xrf1) =	vsort.dscd.msk.f32 $0xffff, v23, v0  }
0x10a: {  	v10 =	vld [tilespmem:s15+$0xFFFFFFD0];
	(xrf1) =	vsort.dscd.msk.f32 $0xffff, v14, v0  }
0x10b: {  	v24 =	vpop (erf);
	(xrf1) =	vsort.dscd.msk.f32 $0xffff, v13, v0  }
0x10c: {  	v25 =	vld [tilespmem:s15+$0xFFFFFFE0];
	v19, _, _ =	vpop (xrf2);
	(xrf2) =	vadd.scan.msk.f32 $0xffff, v16  }
0x10d: {  	s16 =	ssub.f32 s14, s17;
	v9 =	vmul.f32 v22, v9;
	v26, v27, _ =	vpop (xrf1);
	v16 =	vld [tilespmem:s15+$0xFFFFFFF0];
	v11 =	vmul.f32 v20, v0  }
0x10e: {  	v38, _, _ =	vpop (xrf2)  }
0x10f: {  	s16 =	smax.f32 s16, $1.000000000e-30;
	v8 =	vadd.f32 v9, v8;
	v39 =	vpop (erf);
	v12 =	vmul.f32 v10, v0;
	(xrf1) =	vsort.dscd.msk.f32 $0xffff, v11, v0  }
0x110: {  	(erf) = vrcp.f32 v21;
	v40 =	vld [tilespmem:s15+$0x0];
	v9 =	vmul.f32 v15, v17;
	(xrf2) =	vadd.scan.msk.f32 $0xffff, v27;
	v15, v17, _ =	vpop (xrf1);
	v10 =	vmov s16  }
0x111: {  	v41 =	vnsel vm8, $0x0, v0;
	(erf) = vrcp.f32 v10;
	v28, _, _ =	vpop (xrf2);
	v10 =	vmul.f32 v25, v0;
	(xrf1) =	vsort.dscd.msk.f32 $0xffff, v12, v0  }
0x112: {  	s23 =	spop (v2sf);
	(v2sf) =	vpush v19, $0x4;
	(xrf2) =	vadd.scan.msk.f32 $0xffff, v17;
	v17 =	vadd.f32 v9, v8;
	v9 =	vmul.f32 v16, v0;
	v42 =	vpop (erf)  }
0x113: {  	v19 =	vmul.f32 v24, v41;
	(v2sf) =	vpush v38, $0x5;
	s24 =	spop (v2sf);
	(xrf1) =	vsort.dscd.msk.f32 $0xffff, v10, v0;
	v16, _, _ =	vpop (xrf2)  }
0x114: {  	vm12 =	vlt.f32 v4, v18;
	v15 =	vbroadcast v15, $0x4;
	s16 =	ssub.f32 s14, s24;
	(v2sf) =	vpush v28, $0x6;
	v43, v8, _ =	vpop (xrf1);
	(xrf1) =	vsort.dscd.msk.f32 $0xffff, v9, v0  }
0x115: {  	v17 =	vadd.f32 v19, v17;
	(v2sf) =	vpush v16, $0x0;
	v16, _, _ =	vpop (xrf2);
	(xrf2) =	vadd.scan.msk.f32 $0xffff, v8;
	v8 =	vmul.f32 v40, v0  }
0x116: {  	v18 =	vnsel vm9, $0x0, v0;
	v3 =	vmul.f32 v39, v3;
	vm8 =	vlt.f32 v6, v15;
	s16 =	smax.f32 s16, $1.000000000e-30;
	v6, _, _ =	vpop (xrf2)  }
0x117: {  	v18 =	vmul.f32 v42, v18;
	v47 =	vmov s16;
	(xrf1) =	vsort.dscd.msk.f32 $0xffff, v8, v0;
	v19, v44, _ =	vpop (xrf1)  }
0x118: {  	s15 =	ssub.f32 s14, s23;
	v3 =	vadd.f32 v3, v17;
	(erf) = vrcp.f32 v47;
	v46, v45, _ =	vpop (xrf1)  }
0x119: {  	(v2sf) =	vpush v16, $0x1;
	v17, v4, _ =	vpop (xrf1)  }
0x11a: {  	s15 =	smax.f32 s15, $1.000000000e-30;
	s25 =	spop (v2sf);
	v16 =	vadd.f32 v18, v3;
	v3 =	vnsel vm7, $0x0, v0;
	v15 =	vbroadcast v43, $0x5;
	(xrf2) =	vadd.scan.msk.f32 $0xffff, v4;
	v4 =	vpop (erf)  }
0x11b: {  	v26 =	vbroadcast v26, $0x3;
	v18, _, _ =	vpop (xrf2);
	s26 =	spop (v2sf);
	v4 =	vmul.f32 v4, v3;
	v3 =	vmov s15;
	s15 =	ssub.f32 s14, s25  }
0x11c: {  	vm13 =	vmmov vm3;
	vm3 =	vlt.f32 v5, v15;
	s16 =	ssub.f32 s14, s26;
	v5, _, _ =	vpop (xrf2);
	(xrf2) =	vadd.scan.msk.f32 $0xffff, v44  }
0x11d: {  	vm9 =	vlt.f32 v7, v26;
	(v2sf) =	vpush v6, $0x2;
	v6, v48, _ =	vpop (xrf1);
	s15 =	smax.f32 s15, $1.000000000e-30  }
0x11e: {  	(v2sf) =	vpush v18, $0x3;
	s28 =	smax.f32 s16, $1.000000000e-30;
	v7 =	vpop (erf);
	(xrf2) =	vadd.scan.msk.f32 $0xffff, v45;
	(erf) = vrcp.f32 v3;
	v18 =	vmov s15  }
0x11f: {  	v15, v50, _ =	vpop (xrf1);
	(erf) = vrcp.f32 v18;
	v18 =	vmov s28  }
0x120: {  	v51, _, _ =	vpop (xrf2);
	(xrf2) =	vadd.scan.msk.f32 $0xffff, v48  }
0x121: {  	v54 =	vpop (erf);
	v4 =	vadd.f32 v4, v16  }
0x122: {  	v49 =	vnsel vm4, $0x0, v0;
	s29 =	spop (v2sf);
	(v2sf) =	vpush v5, $0x4;
	v17 =	vbroadcast v17, $0x6;
	v16, v5, _ =	vpop (xrf1);
	(xrf2) =	vadd.scan.msk.f32 $0xffff, v50  }
0x123: {  	v7 =	vmul.f32 v7, v49;
	(xrf2) =	vadd.scan.msk.f32 $0xffff, v5;
	(erf) = vrcp.f32 v18;
	v5, v18, _ =	vpop (xrf1)  }
0x124: {  	vm14 =	vmmov vm0;
	v19 =	vbroadcast v19, $0x0;
	s30 =	ssub.f32 s14, s29;
	s31 =	spop (v2sf);
	(v2sf) =	vpush v51, $0x5;
	v52, _, _ =	vpop (xrf2)  }
0x125: {  	vm7 =	vmmov vm5;
	vm5 =	vmmov vm1;
	s17 =	ssub.f32 s14, s31;
	v7 =	vadd.f32 v7, v4;
	(xrf2) =	vadd.scan.msk.f32 $0xffff, v18;
	v4, v18, _ =	vpop (xrf1)  }
0x126: {  	v20 =	vbroadcast v46, $0x1;
	vm15 =	vlt.f32 v23, v19;
	vm1 =	vlt.f32 v13, v17;
	s15 =	smax.f32 s30, $1.000000000e-30;
	v53, _, _ =	vpop (xrf2)  }
0x127: {  	s18 =	spop (v2sf);
	v13 =	vnsel vm14, $0x0, v0;
	v19 =	vmov s15;
	s15 =	smax.f32 s17, $1.000000000e-30;
	(v2sf) =	vpush v52, $0x6;
	(xrf2) =	vadd.scan.msk.f32 $0xffff, v18;
	v17 =	vpop (erf)  }
0x128: {  	s19 =	spop (v2sf);
	(erf) = vrcp.f32 v19;
	v19 =	vmov s15;
	v18, _, _ =	vpop (xrf2);
	(v2sf) =	vpush v53, $0x0  }
0x129: {  	vm0 =	vlt.f32 v14, v20;
	s20 =	ssub.f32 s14, s18;
	s21 =	spop (v2sf);
	v13 =	vmul.f32 v17, v13;
	(v2sf) =	vpush v18, $0x1  }
0x12a: {  	v14 =	vnsel vm2, $0x0, v0;
	s16 =	ssub.f32 s14, s21;
	(erf) = vrcp.f32 v19;
	v17 =	vnsel vm13, $0x0, v0;
	v18, _, _ =	vpop (xrf2)  }
0x12b: {  	s15 =	smax.f32 s20, $1.000000000e-30;
	(v2sf) =	vpush v18, $0x2;
	v19 =	vpop (erf);
	v7 =	vadd.f32 v13, v7;
	v13 =	vmul.f32 v54, v14  }
0x12c: {  	s16 =	smax.f32 s16, $1.000000000e-30;
	v18, _, _ =	vpop (xrf2);
	v14 =	vmul.f32 v19, v17;
	v17 =	vmov s15  }
0x12d: {  	s17 =	ssub.f32 s14, s19;
	(v2sf) =	vpush v18, $0x3;
	v7 =	vadd.f32 v13, v7;
	v13 =	vmov s16  }
0x12e: {  	vm11 =	vmmov vm11;
	v6 =	vbroadcast v6, $0x2;
	v18 =	vpop (erf)  }
0x12f: {  	v3 =	vnsel vm9, $0x0, v0;
	vm9 =	vmmov vm6;
	s22 =	spop (v2sf);
	s17 =	smax.f32 s17, $1.000000000e-30;
	(erf) = vrcp.f32 v17;
	v17, _, _ =	vpop (xrf2)  }
0x130: {  	s23 =	spop (v2sf);
	s15 =	ssub.f32 s14, s22;
	v19 =	vmov s17;
	(erf) = vrcp.f32 v13;
	(v2sf) =	vpush v17, $0x4;
	v13, _, _ =	vpop (xrf2)  }
0x131: {  	v15 =	vbroadcast v15, $0x3;
	s24 =	ssub.f32 s14, s23;
	(erf) = vrcp.f32 v19;
	(v2sf) =	vpush v13, $0x5;
	v13, _, _ =	vpop (xrf2)  }
0x132: {  	vm6 =	vlt.f32 v11, v6;
	v11 =	vnsel vm9, $0x0, v0;
	s25 =	spop (v2sf);
	s15 =	smax.f32 s15, $1.000000000e-30;
	(v2sf) =	vpush v13, $0x6  }
0x133: {  	v2 =	vmul.f32 v18, v2;
	s16 =	ssub.f32 s14, s25;
	v7 =	vadd.f32 v14, v7;
	v14 =	vmov s15;
	s26 =	spop (v2sf);
	v17 =	vpop (erf)  }
0x134: {  	vm14 =	vlt.f32 v12, v15;
	(erf) = vrcp.f32 v14;
	s17 =	ssub.f32 s14, s26;
	v12 =	vpop (erf);
	v13 =	vnsel vm7, $0x0, v0  }
0x135: {  	s15 =	smax.f32 s24, $1.000000000e-30;
	s28 =	smax.f32 s16, $1.000000000e-30;
	v2 =	vadd.f32 v2, v7;
	v11 =	vmul.f32 v12, v11;
	v7 =	vmul.f32 v17, v13  }
0x136: {  	vm4 =	vmmov vm10;
	vm11 =	vmmov vm11;
	v6 =	vmov s15;
	s30 =	smax.f32 s17, $1.000000000e-30;
	s29 =	spop (v2sf)  }
0x137: {  	vm12 =	vmmov vm12;
	(erf) = vrcp.f32 v6;
	v2 =	vadd.f32 v7, v2;
	s31 =	spop (v2sf);
	s16 =	ssub.f32 s14, s29  }
0x138: {  	vm9 =	vmmov vm3;
	v5 =	vbroadcast v5, $0x5;
	v14 =	vnsel vm4, $0x0, v0;
	v15 =	vpop (erf);
	s18 =	spop (v2sf);
	s17 =	ssub.f32 s14, s31  }
0x139: {  	v7 =	vmov s28;
	v14 =	vmul.f32 v15, v14;
	v2 =	vadd.f32 v11, v2;
	v11 =	vpop (erf);
	s15 =	ssub.f32 s14, s18  }
0x13a: {  	v6 =	vmov s30;
	(erf) = vrcp.f32 v7;
	v7 =	vnsel vm11, $0x0, v0;
	v15 =	vpop (erf);
	s16 =	smax.f32 s16, $1.000000000e-30;
	s19 =	spop (v2sf)  }
0x13b: {  	v2 =	vadd.f32 v14, v2;
	v7 =	vmul.f32 v15, v7;
	v14 =	vmov s16;
	s16 =	ssub.f32 s14, s19  }
0x13c: {  	v13 =	vbroadcast v16, $0x4;
	(erf) = vrcp.f32 v6;
	v15 =	vnsel vm5, $0x0, v0;
	s20 =	spop (v2sf);
	s15 =	smax.f32 s15, $1.000000000e-30  }
0x13d: {  	v2 =	vadd.f32 v7, v2;
	v7 =	vmul.f32 v11, v15;
	v6 =	vmov s15;
	s15 =	ssub.f32 s14, s20  }
0x13e: {  	vm13 =	vmmov vm15;
	v16 =	vnsel vm12, $0x0, v0;
	vm10 =	vlt.f32 v10, v13;
	v17 =	vpop (erf);
	s17 =	smax.f32 s17, $1.000000000e-30;
	s16 =	smax.f32 s16, $1.000000000e-30  }
0x13f: {  	v10 =	vmul.f32 v17, v16;
	(erf) = vrcp.f32 v14;
	v2 =	vadd.f32 v7, v2;
	s15 =	smax.f32 s15, $1.000000000e-30;
	s21 =	spop (v2sf)  }
0x140: {  	v7 =	vmov s17;
	(erf) = vrcp.f32 v6;
	v11 =	vmov s16;
	v6 =	vpop (erf);
	s22 =	ssub.f32 s14, s21;
	s23 =	spop (v2sf)  }
0x141: {  	(erf) = vrcp.f32 v7;
	v2 =	vadd.f32 v10, v2;
	v3 =	vmul.f32 v6, v3;
	s24 =	ssub.f32 s14, s23;
	s25 =	spop (v2sf)  }
0x142: {  	vm15 =	vmmov vm8;
	(erf) = vrcp.f32 v11;
	v6 =	vmov s15;
	s16 =	smax.f32 s22, $1.000000000e-30;
	s26 =	ssub.f32 s14, s25  }
0x143: {  	(erf) = vrcp.f32 v6;
	v2 =	vadd.f32 v3, v2;
	v3 =	vmov s16;
	s15 =	smax.f32 s24, $1.000000000e-30  }
0x144: {  	v7 =	vnsel vm15, $0x0, v0;
	v10 =	vpop (erf);
	(erf) = vrcp.f32 v3;
	v3 =	vmov s15;
	s14 =	smax.f32 s26, $1.000000000e-30  }
0x145: {  	v6 =	vmul.f32 v10, v7;
	(erf) = vrcp.f32 v3;
	v3 =	vmov s14  }
0x146: {  	vm1 =	vmmov vm1;
	vm11 =	vlt.f32 v9, v5;
	v7 =	vnsel vm9, $0x0, v0;
	v10 =	vpop (erf)  }
0x147: {  	v5 =	vnsel vm1, $0x0, v0;
	v2 =	vadd.f32 v6, v2;
	v6 =	vmul.f32 v10, v7  }
0x148: {  	v4 =	vbroadcast v4, $0x6;
	(erf) = vrcp.f32 v3;
	v3 =	vpop (erf)  }
0x149: {  	vm12 =	vmmov vm13;
	v2 =	vadd.f32 v6, v2;
	v7 =	vpop (erf);
	v3 =	vmul.f32 v3, v5  }
0x14a: {  	vm13 =	vlt.f32 v8, v4;
	v4 =	vnsel vm12, $0x0, v0;
	v5 =	vpop (erf)  }
0x14b: {  	vm0 =	vmmov vm0;
	v2 =	vadd.f32 v3, v2;
	v3 =	vmul.f32 v5, v4  }
0x14c: {  	v12 =	vnsel vm14, $0x0, v0;
	vm14 =	vmmov vm6;
	v5 =	vnsel vm0, $0x0, v0  }
0x14d: {  	v17 =	vmul.f32 $9.765625000e-04, v1;
	v2 =	vadd.f32 v3, v2;
	v3 =	vmul.f32 v7, v5  }
0x14e: {  	vm3 =	vmmov vm10;
	v6 =	vnsel vm14, $0x0, v0;
	v4 =	vpop (erf)  }
0x14f: {  	v15 =	vbroadcast v17, $0x0;
	v4 =	vmul.f32 v4, v6;
	v2 =	vadd.f32 v3, v2  }
0x150: {  	vm4 =	vmmov vm11;
	v16 =	vbroadcast v17, $0x1;
	v14 =	vbroadcast v17, $0x2;
	v5 =	vpop (erf)  }
0x151: {  	v13 =	vbroadcast v17, $0x3;
	v3 =	vmul.f32 v5, v12;
	v1 =	vadd.f32 v4, v2  }
0x152: {  	v9 =	vbroadcast v17, $0x7;
	vm15 =	vmmov vm13;
	v6 =	vnsel vm3, $0x0, v0;
	v7 =	vpop (erf)  }
0x153: {  	v11 =	vbroadcast v17, $0x5;
	v8 =	vpop (erf);
	v6 =	vmul.f32 v7, v6;
	v1 =	vadd.f32 v3, v1  }
0x154: {  	v10 =	vbroadcast v17, $0x6;
	v5 =	vnsel vm4, $0x0, v0;
	v12 =	vbroadcast v17, $0x4;
	v7 =	vpop (erf)  }
0x155: {  	s28 =	simm.s32 $0x0;
	v2 =	vmul.f32 v8, v5;
	v8 =	vbroadcast v17, $0x8;
	_ =	swait.ge [sflag:s11], $0xA000;
	v1 =	vadd.f32 v6, v1  }
0x156: {  	s29 =	sand.u32 $0x70, s28;
	s15 =	sand.u32 $0x3C00, s28;
	v0 =	vnsel vm15, $0x0, v0;
	v5 =	vbroadcast v17, $0xB;
	v4 =	vbroadcast v17, $0xC;
	[sflag:s11] =	ssyncset.done $0x0  }
0x157: {  	s15 =	sor.u32 s29, s15;
	v0 =	vmul.f32 v7, v0;
	v7 =	vbroadcast v17, $0xA;
	[sflag:s11] =	ssyncadd.s32 $0xFFFF6000;
	v2 =	vadd.f32 v2, v1  }
0x158: {  	v3 =	vbroadcast v17, $0xE;
	v6 =	vbroadcast v17, $0x9;
	v18 =	vld [tilespmem:s15+$0x7080]  }
0x159: {  	v1 =	vbroadcast v17, $0xD;
	v0 =	vadd.f32 v0, v2;
	v2 =	vbroadcast v17, $0xF;
	v17 =	vld [tilespmem:s15+$0x7000];
	_ =	sdelay $0x1  }
0x15a: {  	v19 =	vld [tilespmem:s15+$0x7100];
	_ =	sdelay $0x1  }
0x15b: {  	v55 =	vld [tilespmem:s15+$0x7180]  }
0x15c: {  	v18 =	vmul.f32 v18, v16;
	v17 =	vmul.f32 v17, v15  }
0x15d: {  	v56 =	vld [tilespmem:s15+$0x7200]  }
0x15e: {  	v17 =	vadd.f32 v18, v17;
	v18 =	vmul.f32 v19, v14  }
0x15f: {  	v19 =	vld [tilespmem:s15+$0x7280]  }
0x160: {  	v17 =	vadd.f32 v18, v17;
	v18 =	vmul.f32 v55, v13  }
0x161: {  	v57 =	vld [tilespmem:s15+$0x7300]  }
0x162: {  	v17 =	vadd.f32 v18, v17;
	v18 =	vmul.f32 v56, v12  }
0x163: {  	v58 =	vld [tilespmem:s15+$0x7380]  }
0x164: {  	v17 =	vadd.f32 v18, v17;
	v18 =	vmul.f32 v19, v11  }
0x165: {  	v19 =	vld [tilespmem:s15+$0x9800]  }
0x166: {  	v17 =	vadd.f32 v18, v17;
	v18 =	vmul.f32 v57, v10  }
0x167: {  	v59 =	vld [tilespmem:s15+$0x9880]  }
0x168: {  	v17 =	vadd.f32 v18, v17;
	v18 =	vmul.f32 v58, v9  }
0x169: {  	v60 =	vld [tilespmem:s15+$0x9900]  }
0x16a: {  	v17 =	vadd.f32 v18, v17;
	v18 =	vmul.f32 v19, v8  }
0x16b: {  	v19 =	vld [tilespmem:s15+$0x9980]  }
0x16c: {  	v17 =	vadd.f32 v18, v17;
	v18 =	vmul.f32 v59, v6  }
0x16d: {  	v61 =	vld [tilespmem:s15+$0x9A00]  }
0x16e: {  	v17 =	vadd.f32 v18, v17;
	v18 =	vmul.f32 v60, v7  }
0x16f: {  	v62 =	vld [tilespmem:s15+$0x9A80]  }
0x170: {  	v17 =	vadd.f32 v18, v17;
	v18 =	vmul.f32 v19, v5  }
0x171: {  	v19 =	vld [tilespmem:s15+$0x9B00]  }
0x172: {  	v17 =	vadd.f32 v18, v17;
	v18 =	vmul.f32 v61, v4  }
0x173: {  	v63 =	vld [tilespmem:s15+$0x9B80]  }
0x174: {  	v17 =	vadd.f32 v18, v17;
	v18 =	vmul.f32 v62, v1;
	_ =	sdelay $0x1  }
0x175: {  	v17 =	vadd.f32 v18, v17;
	v18 =	vmul.f32 v19, v3;
	_ =	sdelay $0x1  }
0x176: {  	v17 =	vadd.f32 v18, v17;
	v18 =	vmul.f32 v63, v2;
	_ =	sdelay $0x1  }
0x177: {  	s30 =	simm.s32 $0x10;
	s16 =	simm.s32 $0x80;
	v17 =	vadd.f32 v18, v17  }
0x178: {  	s31 =	sand.u32 $0x3C00, s16;
	s14 =	simm.s32 $0x11080;
	s15 =	sand.u32 $0x70, s30  }
0x179: {  	s17 =	simm.s32 $0x20;
	s15 =	sor.u32 s15, s31;
	[tilespmem:s14+$0x0] =	vst v17  }
.LBB2_6:
0x17a: {  	p0 =	seq.s32 s17, $0x4F0;
	v17 =	vld [tilespmem:s15+$0x7000]  }
0x17b: {  	v18 =	vld [tilespmem:s15+$0x7080];
	_ =	sdelay $0x1  }
0x17c: {  	v19 =	vld [tilespmem:s15+$0x7100];
	_ =	sdelay $0x1  }
0x17d: {  	v20 =	vld [tilespmem:s15+$0x7180]  }
0x17e: {  	v17 =	vmul.f32 v17, v15;
	v18 =	vmul.f32 v18, v16  }
0x17f: {  	v21 =	vld [tilespmem:s15+$0x7200]  }
0x180: {  	v17 =	vadd.f32 v18, v17;
	v18 =	vmul.f32 v19, v14  }
0x181: {  	v19 =	vld [tilespmem:s15+$0x7280]  }
0x182: {  	v17 =	vadd.f32 v18, v17;
	v18 =	vmul.f32 v20, v13  }
0x183: {  	v20 =	vld [tilespmem:s15+$0x7300]  }
0x184: {  	v17 =	vadd.f32 v18, v17;
	v18 =	vmul.f32 v21, v12  }
0x185: {  	v21 =	vld [tilespmem:s15+$0x7380]  }
0x186: {  	v17 =	vadd.f32 v18, v17;
	v18 =	vmul.f32 v19, v11  }
0x187: {  	v19 =	vld [tilespmem:s15+$0x9800]  }
0x188: {  	v17 =	vadd.f32 v18, v17;
	v18 =	vmul.f32 v20, v10  }
0x189: {  	v20 =	vld [tilespmem:s15+$0x9880]  }
0x18a: {  	v17 =	vadd.f32 v18, v17;
	v18 =	vmul.f32 v21, v9  }
0x18b: {  	v21 =	vld [tilespmem:s15+$0x9900]  }
0x18c: {  	v17 =	vadd.f32 v18, v17;
	v18 =	vmul.f32 v19, v8  }
0x18d: {  	v19 =	vld [tilespmem:s15+$0x9980]  }
0x18e: {  	v17 =	vadd.f32 v18, v17;
	v18 =	vmul.f32 v20, v6  }
0x18f: {  	v20 =	vld [tilespmem:s15+$0x9A00]  }
0x190: {  	v17 =	vadd.f32 v18, v17;
	v18 =	vmul.f32 v21, v7  }
0x191: {  	v21 =	vld [tilespmem:s15+$0x9A80]  }
0x192: {  	v17 =	vadd.f32 v18, v17;
	v18 =	vmul.f32 v19, v5  }
0x193: {  	v19 =	vld [tilespmem:s15+$0x9B00]  }
0x194: {  	v17 =	vadd.f32 v18, v17;
	v18 =	vmul.f32 v20, v4  }
0x195: {  	v20 =	vld [tilespmem:s15+$0x9B80]  }
0x196: {  	v17 =	vadd.f32 v18, v17;
	v18 =	vmul.f32 v21, v1;
	_ =	sdelay $0x1  }
0x197: {  	v17 =	vadd.f32 v18, v17;
	v18 =	vmul.f32 v19, v3;
	_ =	sdelay $0x1  }
.Ltmp2:
0x198: {  	v17 =	vadd.f32 v18, v17;
	v18 =	vmul.f32 v20, v2;
	(pc) =	sbr.rel @!p0 .LBB2_6-.Ltmp2, $4  }
0x199: {  	_ = 	snop  }
0x19a: {  	s16 =	sadd.s32 $0x80, s16;
	v17 =	vadd.f32 v18, v17  }
0x19b: {  	s14 =	sadd.s32 $0x10, s14;
	s18 =	sand.u32 $0x3C00, s16;
	s15 =	sand.u32 $0x70, s17  }
0x19c: {  	s17 =	sadd.s32 $0x10, s17;
	s15 =	sor.u32 s15, s18;
	[tilespmem:s14+$0x0] =	vst v17  }
0x19d: {  	v17 =	vld [tilespmem:s15+$0x7000]  }
0x19e: {  	v18 =	vld [tilespmem:s15+$0x7080];
	_ =	sdelay $0x1  }
0x19f: {  	v19 =	vld [tilespmem:s15+$0x7100];
	_ =	sdelay $0x1  }
0x1a0: {  	v20 =	vld [tilespmem:s15+$0x7180]  }
0x1a1: {  	v15 =	vmul.f32 v17, v15;
	v16 =	vmul.f32 v18, v16  }
0x1a2: {  	v17 =	vld [tilespmem:s15+$0x7200]  }
0x1a3: {  	v14 =	vmul.f32 v19, v14;
	v15 =	vadd.f32 v16, v15  }
0x1a4: {  	v16 =	vld [tilespmem:s15+$0x7280]  }
0x1a5: {  	v13 =	vmul.f32 v20, v13;
	v14 =	vadd.f32 v14, v15  }
0x1a6: {  	v15 =	vld [tilespmem:s15+$0x7300]  }
0x1a7: {  	v12 =	vmul.f32 v17, v12;
	v13 =	vadd.f32 v13, v14  }
0x1a8: {  	v14 =	vld [tilespmem:s15+$0x7380]  }
0x1a9: {  	v11 =	vmul.f32 v16, v11;
	v12 =	vadd.f32 v12, v13  }
0x1aa: {  	v13 =	vld [tilespmem:s15+$0x9800]  }
0x1ab: {  	v10 =	vmul.f32 v15, v10;
	v11 =	vadd.f32 v11, v12  }
0x1ac: {  	v12 =	vld [tilespmem:s15+$0x9880]  }
0x1ad: {  	v9 =	vmul.f32 v14, v9;
	v10 =	vadd.f32 v10, v11  }
0x1ae: {  	v11 =	vld [tilespmem:s15+$0x9900]  }
0x1af: {  	v8 =	vmul.f32 v13, v8;
	v9 =	vadd.f32 v9, v10  }
0x1b0: {  	v10 =	vld [tilespmem:s15+$0x9980]  }
0x1b1: {  	v6 =	vmul.f32 v12, v6;
	v8 =	vadd.f32 v8, v9  }
0x1b2: {  	v9 =	vld [tilespmem:s15+$0x9A00]  }
0x1b3: {  	v7 =	vmul.f32 v11, v7;
	v6 =	vadd.f32 v6, v8  }
0x1b4: {  	v8 =	vld [tilespmem:s15+$0x9A80]  }
0x1b5: {  	v5 =	vmul.f32 v10, v5;
	v6 =	vadd.f32 v7, v6  }
0x1b6: {  	v0 =	vmul.f32 $9.765625000e-04, v0;
	v7 =	vld [tilespmem:s15+$0x9B00]  }
0x1b7: {  	v4 =	vmul.f32 v9, v4;
	v5 =	vadd.f32 v5, v6  }
0x1b8: {  	v15 =	vbroadcast v0, $0x1;
	v6 =	vld [tilespmem:s15+$0x9B80]  }
0x1b9: {  	v14 =	vbroadcast v0, $0x0;
	v1 =	vmul.f32 v8, v1;
	v4 =	vadd.f32 v4, v5  }
0x1ba: {  	v13 =	vbroadcast v0, $0x2;
	v12 =	vbroadcast v0, $0x3  }
0x1bb: {  	v11 =	vbroadcast v0, $0x4;
	v3 =	vmul.f32 v7, v3;
	v1 =	vadd.f32 v1, v4  }
0x1bc: {  	v10 =	vbroadcast v0, $0x5;
	v9 =	vbroadcast v0, $0x6  }
0x1bd: {  	v8 =	vbroadcast v0, $0x7;
	v2 =	vmul.f32 v6, v2;
	v1 =	vadd.f32 v3, v1  }
0x1be: {  	v5 =	vbroadcast v0, $0xA;
	v7 =	vbroadcast v0, $0x8  }
0x1bf: {  	s16 =	simm.s32 $0x0;
	v4 =	vbroadcast v0, $0xB;
	v6 =	vbroadcast v0, $0x9;
	v1 =	vadd.f32 v2, v1  }
0x1c0: {  	s14 =	sadd.s32 $0x10, s14;
	s30 =	sand.u32 $0x70, s16;
	s31 =	sand.u32 $0x3C00, s16;
	v3 =	vbroadcast v0, $0xC;
	v2 =	vbroadcast v0, $0xD  }
0x1c1: {  	s17 =	simm.s32 $0x10;
	s15 =	sor.u32 s30, s31;
	[tilespmem:s14+$0x0] =	vst v1;
	v1 =	vbroadcast v0, $0xE;
	v0 =	vbroadcast v0, $0xF;
	s14 =	simm.s32 $0x0  }
.LBB2_8:
0x1c2: {  	p0 =	sne.s32 s17, $0x4F0;
	v16 =	vld [tilespmem:s15+$0xC000]  }
0x1c3: {  	v17 =	vld [tilespmem:s15+$0xC080];
	_ =	sdelay $0x1  }
0x1c4: {  	v18 =	vld [tilespmem:s15+$0xC100];
	_ =	sdelay $0x1  }
0x1c5: {  	v19 =	vld [tilespmem:s15+$0xC180]  }
0x1c6: {  	v16 =	vmul.f32 v16, v14;
	v17 =	vmul.f32 v17, v15  }
0x1c7: {  	v20 =	vld [tilespmem:s15+$0xC200]  }
0x1c8: {  	v16 =	vadd.f32 v17, v16;
	v17 =	vmul.f32 v18, v13  }
0x1c9: {  	v18 =	vld [tilespmem:s15+$0xC280]  }
0x1ca: {  	v16 =	vadd.f32 v17, v16;
	v17 =	vmul.f32 v19, v12  }
0x1cb: {  	v19 =	vld [tilespmem:s15+$0xC300]  }
0x1cc: {  	v16 =	vadd.f32 v17, v16;
	v17 =	vmul.f32 v20, v11  }
0x1cd: {  	v20 =	vld [tilespmem:s15+$0xC380]  }
0x1ce: {  	v16 =	vadd.f32 v17, v16;
	v17 =	vmul.f32 v18, v10  }
0x1cf: {  	v18 =	vld [tilespmem:s15+$0xE800]  }
0x1d0: {  	v16 =	vadd.f32 v17, v16;
	v17 =	vmul.f32 v19, v9  }
0x1d1: {  	v19 =	vld [tilespmem:s15+$0xE880]  }
0x1d2: {  	v16 =	vadd.f32 v17, v16;
	v17 =	vmul.f32 v20, v8  }
0x1d3: {  	v20 =	vld [tilespmem:s15+$0xE900]  }
0x1d4: {  	v16 =	vadd.f32 v17, v16;
	v17 =	vmul.f32 v18, v7  }
0x1d5: {  	v18 =	vld [tilespmem:s15+$0xE980]  }
0x1d6: {  	v16 =	vadd.f32 v17, v16;
	v17 =	vmul.f32 v19, v6  }
0x1d7: {  	v19 =	vld [tilespmem:s15+$0xEA00]  }
0x1d8: {  	v16 =	vadd.f32 v17, v16;
	v17 =	vmul.f32 v20, v5  }
0x1d9: {  	v20 =	vld [tilespmem:s15+$0xEA80]  }
0x1da: {  	v16 =	vadd.f32 v17, v16;
	v17 =	vmul.f32 v18, v4  }
0x1db: {  	v18 =	vld [tilespmem:s15+$0xEB00]  }
0x1dc: {  	v16 =	vadd.f32 v17, v16;
	v17 =	vmul.f32 v19, v3  }
0x1dd: {  	v19 =	vld [tilespmem:s15+$0xEB80]  }
0x1de: {  	v16 =	vadd.f32 v17, v16;
	v17 =	vmul.f32 v20, v2;
	_ =	sdelay $0x1  }
0x1df: {  	v16 =	vadd.f32 v17, v16;
	v17 =	vmul.f32 v18, v1;
	_ =	sdelay $0x1  }
.Ltmp3:
0x1e0: {  	v16 =	vadd.f32 v17, v16;
	v17 =	vmul.f32 v19, v0;
	(pc) =	sbr.rel @p0 .LBB2_8-.Ltmp3, $4  }
0x1e1: {  	_ = 	snop  }
0x1e2: {  	s16 =	sadd.s32 $0x80, s16;
	v16 =	vadd.f32 v17, v16  }
0x1e3: {  	s14 =	sand.u32 $0x7F0, s14;
	s18 =	sand.u32 $0x3C00, s16;
	s15 =	sand.u32 $0x70, s17  }
0x1e4: {  	s15 =	sor.u32 s15, s18;
	[tilespmem:s14+$0x11580] =	vst v16;
	s14 =	smov.u32 s17;
	s17 =	sadd.s32 $0x10, s17  }
0x1e5: {  	v16 =	vld [tilespmem:s15+$0xC000]  }
0x1e6: {  	v17 =	vld [tilespmem:s15+$0xC080];
	_ =	sdelay $0x1  }
0x1e7: {  	v18 =	vld [tilespmem:s15+$0xC100];
	_ =	sdelay $0x1  }
0x1e8: {  	v19 =	vld [tilespmem:s15+$0xC180]  }
0x1e9: {  	v14 =	vmul.f32 v16, v14;
	v15 =	vmul.f32 v17, v15  }
0x1ea: {  	v52 =	vld [tilespmem:s15+$0xC200]  }
0x1eb: {  	v13 =	vmul.f32 v18, v13;
	v14 =	vadd.f32 v15, v14  }
0x1ec: {  	v53 =	vld [tilespmem:s15+$0xC280]  }
0x1ed: {  	v12 =	vmul.f32 v19, v12;
	v13 =	vadd.f32 v13, v14  }
0x1ee: {  	v54 =	vld [tilespmem:s15+$0xC300]  }
0x1ef: {  	v11 =	vmul.f32 v52, v11;
	v12 =	vadd.f32 v12, v13  }
0x1f0: {  	v55 =	vld [tilespmem:s15+$0xC380]  }
0x1f1: {  	v10 =	vmul.f32 v53, v10;
	v11 =	vadd.f32 v11, v12  }
0x1f2: {  	v56 =	vld [tilespmem:s15+$0xE800]  }
0x1f3: {  	v9 =	vmul.f32 v54, v9;
	v10 =	vadd.f32 v10, v11  }
0x1f4: {  	v57 =	vld [tilespmem:s15+$0xE880]  }
0x1f5: {  	v8 =	vmul.f32 v55, v8;
	v9 =	vadd.f32 v9, v10  }
0x1f6: {  	v58 =	vld [tilespmem:s15+$0xE900]  }
0x1f7: {  	v7 =	vmul.f32 v56, v7;
	v8 =	vadd.f32 v8, v9  }
0x1f8: {  	v59 =	vld [tilespmem:s15+$0xE980]  }
0x1f9: {  	v6 =	vmul.f32 v57, v6;
	v7 =	vadd.f32 v7, v8  }
0x1fa: {  	v60 =	vld [tilespmem:s15+$0xEA00]  }
0x1fb: {  	v5 =	vmul.f32 v58, v5;
	v6 =	vadd.f32 v6, v7  }
0x1fc: {  	v61 =	vld [tilespmem:s15+$0xEA80]  }
0x1fd: {  	v4 =	vmul.f32 v59, v4;
	v5 =	vadd.f32 v5, v6  }
0x1fe: {  	v62 =	vld [tilespmem:s15+$0xEB00]  }
0x1ff: {  	v3 =	vmul.f32 v60, v3;
	v4 =	vadd.f32 v4, v5  }
0x200: {  	v63 =	vld [tilespmem:s15+$0xEB80]  }
0x201: {  	v2 =	vmul.f32 v61, v2;
	v3 =	vadd.f32 v3, v4;
	_ =	sdelay $0x1  }
0x202: {  	v1 =	vmul.f32 v62, v1;
	v2 =	vadd.f32 v2, v3;
	_ =	sdelay $0x1  }
0x203: {  	v0 =	vmul.f32 v63, v0;
	v1 =	vadd.f32 v1, v2;
	_ =	sdelay $0x1  }
0x204: {  	s13 =	sadd.s32 $0x1, s13;
	v0 =	vadd.f32 v0, v1  }
0x205: {  	s14 =	sand.u32 $0x7F0, s14;
	p0 =	sne.s32 s13, s7  }
.Ltmp4:
0x206: {  	[tilespmem:s14+$0x11580] =	vst v0;
	(pc) =	sbr.rel @p0 .LBB2_1-.Ltmp4, $4  }
0x207: {  	[hbm4b:s6+s2] =	stream.linear.scatter [tilespmem:s12], [sflag:$0x2], $0xA00, $0x38;
	[tilespmem:$0x11A80] =	vst v63  }
0x208: {  	_ =	swait.ge [sflag:s10], $0xA00  }
0x209: {  	[sflag:s10] =	ssyncset.done $0x0  }
0x20a: {  	[sflag:s10] =	ssyncadd.s32 $0xFFFFF600  }
0x20b: {  	_ =	sfence.sel $0x180000  }
0x20c: {  	[bflag:$0x0] =	sbarrier.arrive $0xFFFF  }
0x20d: {  	p0 =	sne.s32 s0, $0x0;
	_ =	strace $0x90000047  }
0x20e: {  	s0 =	sadd.s32 @!p0 $0x100000, s1;
	[bflag:$0x2] =	sbarrier.arrive $0xFFFF  }
0x20f: {  	[sflag:s0] =	ssyncadd.tile.s32 @!p0 $0x1;
	_ =	shalt  }
.Lfunc_end2:
_tile_overlayer_lowered:
.L_overlay_start_2:
0x210: {  	(tag) =	ssettag $0x2  }
0x211: {  	s0 =	rddreg [dreg:$0x0];
	s2 =	stileid.u32  }
0x212: {  	s1 =	rddreg [dreg:$0x1];
	p0 =	sne.s32 s2, $0x0  }
0x213: {  	s3 =	rddreg [dreg:$0x2];
	[bflag:$0x3] =	sbarrier.arrive $0xFFFF;
	s2 =	simm.s32 @!p0 $0x1C02  }
0x214: {  	[timem:s3], [sflag:s2] =	dma.local @!p0 [hbm:s0], s1  }
0x215: {  	s0 =	simm.s32 @!p0 $0x2  }
0x216: {  	_ =	swait.ge @!p0 [sflag:s0], s1  }
0x217: {  	s1 =	ssub.s32 @!p0 $0x0, s1;
	[sflag:s0] =	ssyncset.done @!p0 $0x0  }
0x218: {  	[sflag:s0] =	ssyncadd.s32 @!p0 s1  }
0x219: {  	[bflag:$0x3] =	sbarrier.arrive $0xFFFF  }
0x21a: {  	_ =	shalt  }

</sc_bundles>
